<compile_context>
chip_gen: v7x
topology: tpu7x:2x2x1
jax: 0.10.2.dev20260603
libtpu: 0.0.44.dev20260713+nightly
codegen_flags: <defaults>
</compile_context>

<pallas_src>
import functools

import jax
import jax.numpy as jnp
from jax import lax
from jax.experimental import pallas as pl
from jax.experimental.pallas import tpu as pltpu
from jax.experimental.pallas import tpu_sc as plsc

N_NODES = 10000
D_IN = 128
D_HID = 128
D_HALF = D_HID // 2
D_OUT = 64
N_EDGES = 320000

NC = 2
NS = 16
LANES = 16
CHUNK = 128
N_PAD = 10240
ROWS_PER_TILE = N_PAD // NS
GROUP = 4
NG = -(-N_EDGES // (NS * GROUP * CHUNK))
E_PAD = NS * NG * GROUP * CHUNK
C_DEG = -(-N_EDGES // (NC * NS * CHUNK))
E_PAD_DEG = NC * NS * C_DEG * CHUNK

_mesh = plsc.VectorSubcoreMesh(
    core_axis_name="c", subcore_axis_name="s", num_cores=NC, num_subcores=NS
)


@functools.partial(
    pl.kernel,
    out_type=jax.ShapeDtypeStruct((NC, N_PAD), jnp.float32),
    mesh=_mesh,
    scratch_types=[
        pltpu.VMEM((C_DEG, CHUNK), jnp.int32),
        pltpu.VMEM((ROWS_PER_TILE,), jnp.float32),
        pltpu.VMEM_SHARED((N_PAD,), jnp.float32),
    ],
)
def _deg_call(dst_hbm, deg_out, dst_v, ones_v, deg_s):
    c = lax.axis_index("c")
    s = lax.axis_index("s")
    row0 = s * ROWS_PER_TILE

    def fill_ones(k, carry):
        ones_v[pl.ds(k * LANES, LANES)] = jnp.ones((LANES,), jnp.float32)
        return carry

    lax.fori_loop(0, ROWS_PER_TILE // LANES, fill_ones, 0)
    pltpu.sync_copy(ones_v, deg_s.at[pl.ds(row0, ROWS_PER_TILE)])
    pltpu.sync_copy(dst_hbm.at[c, s], dst_v)
    plsc.subcore_barrier()

    def body(j, carry):
        pltpu.sync_copy(
            ones_v.at[pl.ds(0, CHUNK)], deg_s.at[dst_v.at[j]], add=True
        )
        return carry

    lax.fori_loop(0, C_DEG, body, 0)
    plsc.subcore_barrier()
    pltpu.sync_copy(
        deg_s.at[pl.ds(row0, ROWS_PER_TILE)],
        deg_out.at[c, pl.ds(row0, ROWS_PER_TILE)],
    )


@functools.partial(
    pl.kernel,
    out_type=jax.ShapeDtypeStruct((NC, N_PAD, D_HALF), jnp.float32),
    mesh=_mesh,
    scratch_types=[
        pltpu.VMEM((NG, GROUP * CHUNK), jnp.int32),
        pltpu.VMEM((2, GROUP * CHUNK), jnp.int32),
        pltpu.VMEM((GROUP * CHUNK, D_HALF), jnp.float32),
        pltpu.VMEM((GROUP * CHUNK, D_HALF), jnp.float32),
        pltpu.VMEM_SHARED((N_PAD, D_HALF), jnp.float32),
        pltpu.SemaphoreType.DMA,
        pltpu.SemaphoreType.DMA,
        pltpu.SemaphoreType.DMA,
        pltpu.SemaphoreType.DMA,
    ],
    compiler_params=pltpu.CompilerParams(use_tc_tiling_on_sc=False),
)
def _mp_call(g_hbm, edge_hbm, acc_out,
             src_v, dst_v, rows_a, rows_b, acc_s, sem_a, sem_b, sem_da, sem_db):
    c = lax.axis_index("c")
    s = lax.axis_index("s")
    row0 = s * ROWS_PER_TILE
    g_c = g_hbm.at[c]
    src_hbm = edge_hbm.at[0]
    dst_hbm = edge_hbm.at[1]

    pltpu.sync_copy(
        g_c.at[pl.ds(row0, ROWS_PER_TILE)],
        acc_s.at[pl.ds(row0, ROWS_PER_TILE)],
    )
    pltpu.sync_copy(src_hbm.at[s], src_v)
    plsc.subcore_barrier()

    pltpu.async_copy(g_c.at[src_v.at[0]], rows_a, sem_a)
    pltpu.async_copy(dst_hbm.at[s, 0], dst_v.at[0], sem_da)
    pltpu.async_copy(g_c.at[src_v.at[1]], rows_b, sem_b)
    pltpu.async_copy(dst_hbm.at[s, 1], dst_v.at[1], sem_db)

    def body(t, carry):
        j = 2 * t
        pltpu.make_async_copy(g_c.at[src_v.at[j]], rows_a, sem_a).wait()
        pltpu.make_async_copy(dst_hbm.at[s, j], dst_v.at[0], sem_da).wait()
        pltpu.sync_copy(rows_a, acc_s.at[dst_v.at[0]], add=True)

        @pl.when(j + 2 < NG)
        def _():
            pltpu.async_copy(g_c.at[src_v.at[j + 2]], rows_a, sem_a)
            pltpu.async_copy(dst_hbm.at[s, j + 2], dst_v.at[0], sem_da)

        @pl.when(j + 1 < NG)
        def _():
            pltpu.make_async_copy(
                g_c.at[src_v.at[j + 1]], rows_b, sem_b
            ).wait()
            pltpu.make_async_copy(
                dst_hbm.at[s, j + 1], dst_v.at[1], sem_db
            ).wait()
            pltpu.sync_copy(rows_b, acc_s.at[dst_v.at[1]], add=True)

        @pl.when(j + 3 < NG)
        def _():
            pltpu.async_copy(g_c.at[src_v.at[j + 3]], rows_b, sem_b)
            pltpu.async_copy(dst_hbm.at[s, j + 3], dst_v.at[1], sem_db)

        return carry

    lax.fori_loop(0, (NG + 1) // 2, body, 0)
    plsc.subcore_barrier()
    pltpu.sync_copy(
        acc_s.at[pl.ds(row0, ROWS_PER_TILE)],
        acc_out.at[c, pl.ds(row0, ROWS_PER_TILE)],
    )


_BR = 1280


def _dense1_body(x_ref, w_ref, d0_ref, d1_ref, g_ref, dinv_ref):
    i = pl.program_id(0)
    deg = d0_ref[...] + d1_ref[...] - 1.0
    rows = i * _BR + lax.broadcasted_iota(jnp.int32, (_BR, 1), 0)
    dinv = jnp.where(rows < N_NODES, lax.rsqrt(deg), 0.0)
    dinv_ref[...] = dinv
    res = dinv * jnp.dot(
        x_ref[...], w_ref[...], preferred_element_type=jnp.float32
    )
    g_ref[0] = res[:, :D_HALF]
    g_ref[1] = res[:, D_HALF:]


def _dense1_call(x_pad, w1, deg0, deg1):
    return pl.pallas_call(
        _dense1_body,
        grid=(N_PAD // _BR,),
        in_specs=[
            pl.BlockSpec((_BR, D_IN), lambda i: (i, 0)),
            pl.BlockSpec((D_IN, D_HID), lambda i: (0, 0)),
            pl.BlockSpec((_BR, 1), lambda i: (i, 0)),
            pl.BlockSpec((_BR, 1), lambda i: (i, 0)),
        ],
        out_specs=[
            pl.BlockSpec((NC, _BR, D_HALF), lambda i: (0, i, 0)),
            pl.BlockSpec((_BR, 1), lambda i: (i, 0)),
        ],
        out_shape=[
            jax.ShapeDtypeStruct((NC, N_PAD, D_HALF), jnp.float32),
            jax.ShapeDtypeStruct((N_PAD, 1), jnp.float32),
        ],
    )(x_pad, w1, deg0, deg1)


def _dense2_body(a_ref, dinv_ref, b_ref, w_ref, g_ref):
    dinv = dinv_ref[...]
    acc = jnp.concatenate([a_ref[0], a_ref[1]], axis=1)
    m = jax.nn.relu(dinv * acc + b_ref[...])
    res = dinv * jnp.dot(m, w_ref[...], preferred_element_type=jnp.float32)
    g_ref[0] = res[:, :D_HALF]
    g_ref[1] = res[:, D_HALF:]


def _dense2_call(acc, dinv, b1, w2):
    return pl.pallas_call(
        _dense2_body,
        grid=(N_PAD // _BR,),
        in_specs=[
            pl.BlockSpec((NC, _BR, D_HALF), lambda i: (0, i, 0)),
            pl.BlockSpec((_BR, 1), lambda i: (i, 0)),
            pl.BlockSpec((1, D_HID), lambda i: (0, 0)),
            pl.BlockSpec((D_HID, D_HID), lambda i: (0, 0)),
        ],
        out_specs=pl.BlockSpec((NC, _BR, D_HALF), lambda i: (0, i, 0)),
        out_shape=jax.ShapeDtypeStruct((NC, N_PAD, D_HALF), jnp.float32),
    )(acc, dinv, b1, w2)


def _dense3_body(a_ref, dinv_ref, b_ref, w_ref, bfc_ref, o_ref):
    acc = jnp.concatenate([a_ref[0], a_ref[1]], axis=1)
    m = jax.nn.relu(dinv_ref[...] * acc + b_ref[...])
    o_ref[...] = (
        jnp.dot(m, w_ref[...], preferred_element_type=jnp.float32)
        + bfc_ref[...]
    )


def _dense3_call(acc, dinv, b2, wfc, bfc):
    return pl.pallas_call(
        _dense3_body,
        grid=(N_PAD // _BR,),
        in_specs=[
            pl.BlockSpec((NC, _BR, D_HALF), lambda i: (0, i, 0)),
            pl.BlockSpec((_BR, 1), lambda i: (i, 0)),
            pl.BlockSpec((1, D_HID), lambda i: (0, 0)),
            pl.BlockSpec((D_HID, D_OUT), lambda i: (0, 0)),
            pl.BlockSpec((1, D_OUT), lambda i: (0, 0)),
        ],
        out_specs=pl.BlockSpec((_BR, D_OUT), lambda i: (i, 0)),
        out_shape=jax.ShapeDtypeStruct((N_PAD, D_OUT), jnp.float32),
    )(acc, dinv, b2, wfc, bfc)


def kernel(x, edge_index, W1, b1, W2, b2, Wfc, bfc):
    x_pad = jnp.concatenate(
        [x, jnp.zeros((N_PAD - N_NODES, D_IN), jnp.float32)], axis=0
    )

    src32 = edge_index[0].astype(jnp.int32)
    dst32 = edge_index[1].astype(jnp.int32)
    padf = N_NODES + jnp.arange(E_PAD - N_EDGES, dtype=jnp.int32) % (
        N_PAD - N_NODES
    )
    edge_r = jnp.stack(
        [
            jnp.concatenate([src32, padf]).reshape(NS, NG, GROUP * CHUNK),
            jnp.concatenate([dst32, padf]).reshape(NS, NG, GROUP * CHUNK),
        ]
    )
    padd = jnp.full((E_PAD_DEG - N_EDGES,), N_NODES, jnp.int32)
    dst_deg = jnp.concatenate([dst32, padd]).reshape(NC, NS, C_DEG, CHUNK)

    degp = _deg_call(dst_deg)
    deg0 = degp[0].reshape(N_PAD, 1)
    deg1 = degp[1].reshape(N_PAD, 1)

    g1, dinv = _dense1_call(x_pad, W1, deg0, deg1)

    acc1 = _mp_call(g1, edge_r)
    g2 = _dense2_call(acc1, dinv, b1.reshape(1, D_HID), W2)

    acc2 = _mp_call(g2, edge_r)
    out = _dense3_call(
        acc2, dinv, b2.reshape(1, D_HID), Wfc, bfc.reshape(1, D_OUT)
    )
    return out[:N_NODES]

# --- scband reference (transcript-rebuilt; emitter-appended) ---
"""Pipeline reference for scband-station-flow-gnn-24532853195354 (READ-ONLY COPY).

The authoritative reference and input builder live on the scoring server;
editing this copy changes nothing except your own understanding.
"""

import jax, jax.numpy as jnp
import numpy as np

N_NODES = 10000
D_IN = 128
D_HID = 128
D_OUT = 64
N_EDGES = 320000


def setup_inputs(seed: int = 0) -> dict:
    key = jax.random.key(seed)
    ks = jax.random.split(key, 10)
    x = jax.random.normal(ks[0], (N_NODES, D_IN), dtype=jnp.float32)
    edge_index = jax.random.randint(ks[1], (2, N_EDGES), 0, N_NODES, dtype=jnp.int64)
    s1 = 1.0 / np.sqrt(D_IN)
    s2 = 1.0 / np.sqrt(D_HID)
    W1 = jax.random.uniform(ks[2], (D_IN, D_HID), jnp.float32, -s1, s1)
    b1 = jax.random.uniform(ks[3], (D_HID,), jnp.float32, -s1, s1)
    W2 = jax.random.uniform(ks[4], (D_HID, D_HID), jnp.float32, -s2, s2)
    b2 = jax.random.uniform(ks[5], (D_HID,), jnp.float32, -s2, s2)
    Wfc = jax.random.uniform(ks[6], (D_HID, D_OUT), jnp.float32, -s2, s2)
    bfc = jax.random.uniform(ks[7], (D_OUT,), jnp.float32, -s2, s2)
    return {"x": x, "edge_index": edge_index, "W1": W1, "b1": b1, "W2": W2, "b2": b2, "Wfc": Wfc, "bfc": bfc}


def _gcn_conv(x, edge_index, W, b, num_nodes):
    # PyG GCNConv: x' = D^{-1/2} (A + I) D^{-1/2} X W + b
    h = x @ W
    loop = jnp.arange(num_nodes, dtype=edge_index.dtype)
    src = jnp.concatenate([edge_index[0], loop])
    dst = jnp.concatenate([edge_index[1], loop])
    deg = jnp.zeros((num_nodes,), dtype=h.dtype).at[dst].add(1.0)
    dinv = jnp.where(deg > 0, 1.0 / jnp.sqrt(deg), 0.0)
    norm = dinv[src] * dinv[dst]
    msg = h[src] * norm[:, None]
    out = jnp.zeros((num_nodes, h.shape[1]), dtype=h.dtype).at[dst].add(msg)
    return out + b


def reference(x, edge_index, W1, b1, W2, b2, Wfc, bfc):
    n = x.shape[0]
    h = jax.nn.relu(_gcn_conv(x, edge_index, W1, b1, n))
    h = jax.nn.relu(_gcn_conv(h, edge_index, W2, b2, n))
    return h @ Wfc + bfc

if __name__ == "__main__":
    import jax
    _d = setup_inputs()
    print(jax.jit(kernel)(*tuple(_d.values())))

</pallas_src>

<mosaic_0001>
#map = affine_map<(d0, d1) -> (0, 0, 0)>
#map1 = affine_map<(d0, d1) -> (0, 0, 0, 0)>
module attributes {stable_mosaic.version = 14 : i64} {
  func.func @_mp_call(%arg0: i32, %arg1: i32, %arg2: memref<2x10240x64xf32, #tpu.memory_space<hbm>>, %arg3: memref<2x16x40x512xi32, #tpu.memory_space<hbm>>, %arg4: memref<2x10240x64xf32, #tpu.memory_space<hbm>>, %arg5: memref<40x512xi32, #tpu.memory_space<vmem>>, %arg6: memref<2x512xi32, #tpu.memory_space<vmem>>, %arg7: memref<512x64xf32, #tpu.memory_space<vmem>>, %arg8: memref<512x64xf32, #tpu.memory_space<vmem>>, %arg9: memref<10240x64xf32, #tpu.memory_space<vmem_shared>>, %arg10: memref<!tpu.dma_semaphore, #tpu.memory_space<semaphore_mem>>, %arg11: memref<!tpu.dma_semaphore, #tpu.memory_space<semaphore_mem>>, %arg12: memref<!tpu.dma_semaphore, #tpu.memory_space<semaphore_mem>>, %arg13: memref<!tpu.dma_semaphore, #tpu.memory_space<semaphore_mem>>) attributes {dimension_semantics = [#tpu.dimension_semantics<core_parallel>, #tpu.dimension_semantics<subcore_parallel>], iteration_bounds = array<i64: 2, 16>, scalar_prefetch = 0 : i64, scratch_operands = 9 : i64, tpu.core_type = #tpu.core_type<sc_vector_subcore>, window_params = [{transform_indices = #map}, {transform_indices = #map1}, {transform_indices = #map}]} {
    %mul3A = arith.constant 640 : i32
    %mul3A_0 = arith.muli %arg1, %mul3A : i32
    "tpu.region"() ({
      %run_scoped3A_79 = tpu.sem_alloc : memref<!tpu.dma_semaphore, #tpu.memory_space<semaphore_mem>>
      %dma_start3A_80 = arith.constant 0 : i32
      %dma_start3A_81 = tpu.memref_slice %arg9[%mul3A_0, %dma_start3A_80] : memref<10240x64xf32, #tpu.memory_space<vmem_shared>> -> memref<640x64xf32, #tpu.memory_space<vmem_shared>>
      %dma_start3A_82 = arith.constant 0 : i32
      %dma_start3A_83 = arith.constant 0 : i32
      %dma_start3A_84 = tpu.memref_slice %arg2[%arg0, %dma_start3A_82, %dma_start3A_83] : memref<2x10240x64xf32, #tpu.memory_space<hbm>> -> memref<1x10240x64xf32, #tpu.memory_space<hbm>>
      %dma_start3A_85 = tpu.memref_squeeze %dma_start3A_84 : memref<1x10240x64xf32, #tpu.memory_space<hbm>> -> memref<10240x64xf32, #tpu.memory_space<hbm>>
      %dma_start3A_86 = arith.constant 0 : i32
      %dma_start3A_87 = tpu.memref_slice %dma_start3A_85[%mul3A_0, %dma_start3A_86] : memref<10240x64xf32, #tpu.memory_space<hbm>> -> memref<640x64xf32, #tpu.memory_space<hbm>>
      tpu.enqueue_dma source(%dma_start3A_87 : memref<640x64xf32, #tpu.memory_space<hbm>>) target(%dma_start3A_81 : memref<640x64xf32, #tpu.memory_space<vmem_shared>>) target_semaphore(%run_scoped3A_79 : memref<!tpu.dma_semaphore, #tpu.memory_space<semaphore_mem>>)
      %dma_wait3A = arith.constant 0 : i32
      %dma_wait3A_88 = tpu.memref_slice %arg9[%mul3A_0, %dma_wait3A] : memref<10240x64xf32, #tpu.memory_space<vmem_shared>> -> memref<640x64xf32, #tpu.memory_space<vmem_shared>>
      %dma_wait3A_89 = arith.constant 0 : i32
      %dma_wait3A_90 = arith.constant 0 : i32
      %dma_wait3A_91 = tpu.memref_slice %arg2[%arg0, %dma_wait3A_89, %dma_wait3A_90] : memref<2x10240x64xf32, #tpu.memory_space<hbm>> -> memref<1x10240x64xf32, #tpu.memory_space<hbm>>
      %dma_wait3A_92 = tpu.memref_squeeze %dma_wait3A_91 : memref<1x10240x64xf32, #tpu.memory_space<hbm>> -> memref<10240x64xf32, #tpu.memory_space<hbm>>
      %dma_wait3A_93 = arith.constant 0 : i32
      %dma_wait3A_94 = tpu.memref_slice %dma_wait3A_92[%mul3A_0, %dma_wait3A_93] : memref<10240x64xf32, #tpu.memory_space<hbm>> -> memref<640x64xf32, #tpu.memory_space<hbm>>
      tpu.wait_dma2 semaphore(%run_scoped3A_79 : memref<!tpu.dma_semaphore, #tpu.memory_space<semaphore_mem>>) src(%dma_wait3A_94 : memref<640x64xf32, #tpu.memory_space<hbm>>) dst(%dma_wait3A_88 : memref<640x64xf32, #tpu.memory_space<vmem_shared>>)
      tpu.yield
    }) : () -> ()
    %run_scoped3A = arith.constant 0 : i32
    "tpu.region"() ({
      %run_scoped3A_79 = tpu.sem_alloc : memref<!tpu.dma_semaphore, #tpu.memory_space<semaphore_mem>>
      %dma_start3A_80 = arith.constant 0 : i32
      %dma_start3A_81 = arith.constant 0 : i32
      %dma_start3A_82 = arith.constant 0 : i32
      %dma_start3A_83 = tpu.memref_slice %arg3[%run_scoped3A, %dma_start3A_80, %dma_start3A_81, %dma_start3A_82] : memref<2x16x40x512xi32, #tpu.memory_space<hbm>> -> memref<1x16x40x512xi32, #tpu.memory_space<hbm>>
      %dma_start3A_84 = tpu.memref_squeeze %dma_start3A_83 : memref<1x16x40x512xi32, #tpu.memory_space<hbm>> -> memref<16x40x512xi32, #tpu.memory_space<hbm>>
      %dma_start3A_85 = arith.constant 0 : i32
      %dma_start3A_86 = arith.constant 0 : i32
      %dma_start3A_87 = tpu.memref_slice %dma_start3A_84[%arg1, %dma_start3A_85, %dma_start3A_86] : memref<16x40x512xi32, #tpu.memory_space<hbm>> -> memref<1x40x512xi32, #tpu.memory_space<hbm>>
      %dma_start3A_88 = tpu.memref_squeeze %dma_start3A_87 : memref<1x40x512xi32, #tpu.memory_space<hbm>> -> memref<40x512xi32, #tpu.memory_space<hbm>>
      %dma_start3A_89 = arith.constant 0 : i32
      %dma_start3A_90 = arith.constant 0 : i32
      %dma_start3A_91 = arith.constant 0 : i32
      %dma_start3A_92 = tpu.memref_slice %arg3[%run_scoped3A, %dma_start3A_89, %dma_start3A_90, %dma_start3A_91] : memref<2x16x40x512xi32, #tpu.memory_space<hbm>> -> memref<1x16x40x512xi32, #tpu.memory_space<hbm>>
      %dma_start3A_93 = tpu.memref_squeeze %dma_start3A_92 : memref<1x16x40x512xi32, #tpu.memory_space<hbm>> -> memref<16x40x512xi32, #tpu.memory_space<hbm>>
      %dma_start3A_94 = arith.constant 0 : i32
      %dma_start3A_95 = arith.constant 0 : i32
      %dma_start3A_96 = tpu.memref_slice %dma_start3A_93[%arg1, %dma_start3A_94, %dma_start3A_95] : memref<16x40x512xi32, #tpu.memory_space<hbm>> -> memref<1x40x512xi32, #tpu.memory_space<hbm>>
      %dma_start3A_97 = tpu.memref_squeeze %dma_start3A_96 : memref<1x40x512xi32, #tpu.memory_space<hbm>> -> memref<40x512xi32, #tpu.memory_space<hbm>>
      tpu.enqueue_dma source(%dma_start3A_97 : memref<40x512xi32, #tpu.memory_space<hbm>>) target(%arg5 : memref<40x512xi32, #tpu.memory_space<vmem>>) target_semaphore(%run_scoped3A_79 : memref<!tpu.dma_semaphore, #tpu.memory_space<semaphore_mem>>)
      %dma_wait3A = arith.constant 0 : i32
      %dma_wait3A_98 = arith.constant 0 : i32
      %dma_wait3A_99 = arith.constant 0 : i32
      %dma_wait3A_100 = tpu.memref_slice %arg3[%run_scoped3A, %dma_wait3A, %dma_wait3A_98, %dma_wait3A_99] : memref<2x16x40x512xi32, #tpu.memory_space<hbm>> -> memref<1x16x40x512xi32, #tpu.memory_space<hbm>>
      %dma_wait3A_101 = tpu.memref_squeeze %dma_wait3A_100 : memref<1x16x40x512xi32, #tpu.memory_space<hbm>> -> memref<16x40x512xi32, #tpu.memory_space<hbm>>
      %dma_wait3A_102 = arith.constant 0 : i32
      %dma_wait3A_103 = arith.constant 0 : i32
      %dma_wait3A_104 = tpu.memref_slice %dma_wait3A_101[%arg1, %dma_wait3A_102, %dma_wait3A_103] : memref<16x40x512xi32, #tpu.memory_space<hbm>> -> memref<1x40x512xi32, #tpu.memory_space<hbm>>
      %dma_wait3A_105 = tpu.memref_squeeze %dma_wait3A_104 : memref<1x40x512xi32, #tpu.memory_space<hbm>> -> memref<40x512xi32, #tpu.memory_space<hbm>>
      %dma_wait3A_106 = arith.constant 0 : i32
      %dma_wait3A_107 = arith.constant 0 : i32
      %dma_wait3A_108 = arith.constant 0 : i32
      %dma_wait3A_109 = tpu.memref_slice %arg3[%run_scoped3A, %dma_wait3A_106, %dma_wait3A_107, %dma_wait3A_108] : memref<2x16x40x512xi32, #tpu.memory_space<hbm>> -> memref<1x16x40x512xi32, #tpu.memory_space<hbm>>
      %dma_wait3A_110 = tpu.memref_squeeze %dma_wait3A_109 : memref<1x16x40x512xi32, #tpu.memory_space<hbm>> -> memref<16x40x512xi32, #tpu.memory_space<hbm>>
      %dma_wait3A_111 = arith.constant 0 : i32
      %dma_wait3A_112 = arith.constant 0 : i32
      %dma_wait3A_113 = tpu.memref_slice %dma_wait3A_110[%arg1, %dma_wait3A_111, %dma_wait3A_112] : memref<16x40x512xi32, #tpu.memory_space<hbm>> -> memref<1x40x512xi32, #tpu.memory_space<hbm>>
      %dma_wait3A_114 = tpu.memref_squeeze %dma_wait3A_113 : memref<1x40x512xi32, #tpu.memory_space<hbm>> -> memref<40x512xi32, #tpu.memory_space<hbm>>
      tpu.wait_dma2 semaphore(%run_scoped3A_79 : memref<!tpu.dma_semaphore, #tpu.memory_space<semaphore_mem>>) src(%dma_wait3A_114 : memref<40x512xi32, #tpu.memory_space<hbm>>) dst(%arg5 : memref<40x512xi32, #tpu.memory_space<vmem>>)
      tpu.yield
    }) : () -> ()
    %barrier3A = arith.constant 0 : index
    tpu.barrier barrier_id(%barrier3A)
    %dma_start3A = arith.constant 0 : i32
    %dma_start3A_1 = arith.constant 0 : i32
    %dma_start3A_2 = tpu.memref_slice %arg5[%dma_start3A, %dma_start3A_1] : memref<40x512xi32, #tpu.memory_space<vmem>> -> memref<1x512xi32, #tpu.memory_space<vmem>>
    %dma_start3A_3 = tpu.memref_squeeze %dma_start3A_2 : memref<1x512xi32, #tpu.memory_space<vmem>> -> memref<512xi32, #tpu.memory_space<vmem>>
    %dma_start3A_4 = arith.constant 0 : i32
    %dma_start3A_5 = arith.constant 0 : i32
    %dma_start3A_6 = tpu.memref_slice %arg2[%arg0, %dma_start3A_4, %dma_start3A_5] : memref<2x10240x64xf32, #tpu.memory_space<hbm>> -> memref<1x10240x64xf32, #tpu.memory_space<hbm>>
    %dma_start3A_7 = tpu.memref_squeeze %dma_start3A_6 : memref<1x10240x64xf32, #tpu.memory_space<hbm>> -> memref<10240x64xf32, #tpu.memory_space<hbm>>
    %dma_start3A_8 = arith.constant 0 : i32
    %dma_start3A_9 = arith.constant 0 : i32
    %dma_start3A_10 = tpu.memref_slice %dma_start3A_7[%dma_start3A_8, %dma_start3A_9] : memref<10240x64xf32, #tpu.memory_space<hbm>> -> memref<10240x64xf32, #tpu.memory_space<hbm>>
    tpu.enqueue_indirect_dma source(%dma_start3A_10 : memref<10240x64xf32, #tpu.memory_space<hbm>>) target(%arg7 : memref<512x64xf32, #tpu.memory_space<vmem>>) offsets(%dma_start3A_3 : memref<512xi32, #tpu.memory_space<vmem>>) semaphore(%arg10 : memref<!tpu.dma_semaphore, #tpu.memory_space<semaphore_mem>>)
    %dma_start3A_11 = arith.constant 1 : i32
    %dma_start3A_12 = arith.constant 0 : i32
    %dma_start3A_13 = arith.constant 0 : i32
    %dma_start3A_14 = arith.constant 0 : i32
    %dma_start3A_15 = tpu.memref_slice %arg6[%dma_start3A_13, %dma_start3A_14] : memref<2x512xi32, #tpu.memory_space<vmem>> -> memref<1x512xi32, #tpu.memory_space<vmem>>
    %dma_start3A_16 = tpu.memref_squeeze %dma_start3A_15 : memref<1x512xi32, #tpu.memory_space<vmem>> -> memref<512xi32, #tpu.memory_space<vmem>>
    %dma_start3A_17 = arith.constant 0 : i32
    %dma_start3A_18 = arith.constant 0 : i32
    %dma_start3A_19 = arith.constant 0 : i32
    %dma_start3A_20 = tpu.memref_slice %arg3[%dma_start3A_11, %dma_start3A_17, %dma_start3A_18, %dma_start3A_19] : memref<2x16x40x512xi32, #tpu.memory_space<hbm>> -> memref<1x16x40x512xi32, #tpu.memory_space<hbm>>
    %dma_start3A_21 = tpu.memref_squeeze %dma_start3A_20 : memref<1x16x40x512xi32, #tpu.memory_space<hbm>> -> memref<16x40x512xi32, #tpu.memory_space<hbm>>
    %dma_start3A_22 = arith.constant 0 : i32
    %dma_start3A_23 = tpu.memref_slice %dma_start3A_21[%arg1, %dma_start3A_12, %dma_start3A_22] : memref<16x40x512xi32, #tpu.memory_space<hbm>> -> memref<1x1x512xi32, #tpu.memory_space<hbm>>
    %dma_start3A_24 = tpu.memref_squeeze %dma_start3A_23 : memref<1x1x512xi32, #tpu.memory_space<hbm>> -> memref<512xi32, #tpu.memory_space<hbm>>
    %dma_start3A_25 = arith.constant 0 : i32
    %dma_start3A_26 = tpu.memref_slice %arg6[%dma_start3A_13, %dma_start3A_25] : memref<2x512xi32, #tpu.memory_space<vmem>> -> memref<1x512xi32, #tpu.memory_space<vmem>>
    %dma_start3A_27 = tpu.memref_squeeze %dma_start3A_26 : memref<1x512xi32, #tpu.memory_space<vmem>> -> memref<512xi32, #tpu.memory_space<vmem>>
    %dma_start3A_28 = arith.constant 0 : i32
    %dma_start3A_29 = arith.constant 0 : i32
    %dma_start3A_30 = arith.constant 0 : i32
    %dma_start3A_31 = tpu.memref_slice %arg3[%dma_start3A_11, %dma_start3A_28, %dma_start3A_29, %dma_start3A_30] : memref<2x16x40x512xi32, #tpu.memory_space<hbm>> -> memref<1x16x40x512xi32, #tpu.memory_space<hbm>>
    %dma_start3A_32 = tpu.memref_squeeze %dma_start3A_31 : memref<1x16x40x512xi32, #tpu.memory_space<hbm>> -> memref<16x40x512xi32, #tpu.memory_space<hbm>>
    %dma_start3A_33 = arith.constant 0 : i32
    %dma_start3A_34 = tpu.memref_slice %dma_start3A_32[%arg1, %dma_start3A_12, %dma_start3A_33] : memref<16x40x512xi32, #tpu.memory_space<hbm>> -> memref<1x1x512xi32, #tpu.memory_space<hbm>>
    %dma_start3A_35 = tpu.memref_squeeze %dma_start3A_34 : memref<1x1x512xi32, #tpu.memory_space<hbm>> -> memref<512xi32, #tpu.memory_space<hbm>>
    tpu.enqueue_dma source(%dma_start3A_35 : memref<512xi32, #tpu.memory_space<hbm>>) target(%dma_start3A_27 : memref<512xi32, #tpu.memory_space<vmem>>) target_semaphore(%arg12 : memref<!tpu.dma_semaphore, #tpu.memory_space<semaphore_mem>>)
    %dma_start3A_36 = arith.constant 1 : i32
    %dma_start3A_37 = arith.constant 0 : i32
    %dma_start3A_38 = tpu.memref_slice %arg5[%dma_start3A_36, %dma_start3A_37] : memref<40x512xi32, #tpu.memory_space<vmem>> -> memref<1x512xi32, #tpu.memory_space<vmem>>
    %dma_start3A_39 = tpu.memref_squeeze %dma_start3A_38 : memref<1x512xi32, #tpu.memory_space<vmem>> -> memref<512xi32, #tpu.memory_space<vmem>>
    %dma_start3A_40 = arith.constant 0 : i32
    %dma_start3A_41 = arith.constant 0 : i32
    %dma_start3A_42 = tpu.memref_slice %arg2[%arg0, %dma_start3A_40, %dma_start3A_41] : memref<2x10240x64xf32, #tpu.memory_space<hbm>> -> memref<1x10240x64xf32, #tpu.memory_space<hbm>>
    %dma_start3A_43 = tpu.memref_squeeze %dma_start3A_42 : memref<1x10240x64xf32, #tpu.memory_space<hbm>> -> memref<10240x64xf32, #tpu.memory_space<hbm>>
    %dma_start3A_44 = arith.constant 0 : i32
    %dma_start3A_45 = arith.constant 0 : i32
    %dma_start3A_46 = tpu.memref_slice %dma_start3A_43[%dma_start3A_44, %dma_start3A_45] : memref<10240x64xf32, #tpu.memory_space<hbm>> -> memref<10240x64xf32, #tpu.memory_space<hbm>>
    tpu.enqueue_indirect_dma source(%dma_start3A_46 : memref<10240x64xf32, #tpu.memory_space<hbm>>) target(%arg8 : memref<512x64xf32, #tpu.memory_space<vmem>>) offsets(%dma_start3A_39 : memref<512xi32, #tpu.memory_space<vmem>>) semaphore(%arg11 : memref<!tpu.dma_semaphore, #tpu.memory_space<semaphore_mem>>)
    %dma_start3A_47 = arith.constant 1 : i32
    %dma_start3A_48 = arith.constant 1 : i32
    %dma_start3A_49 = arith.constant 1 : i32
    %dma_start3A_50 = arith.constant 0 : i32
    %dma_start3A_51 = tpu.memref_slice %arg6[%dma_start3A_49, %dma_start3A_50] : memref<2x512xi32, #tpu.memory_space<vmem>> -> memref<1x512xi32, #tpu.memory_space<vmem>>
    %dma_start3A_52 = tpu.memref_squeeze %dma_start3A_51 : memref<1x512xi32, #tpu.memory_space<vmem>> -> memref<512xi32, #tpu.memory_space<vmem>>
    %dma_start3A_53 = arith.constant 0 : i32
    %dma_start3A_54 = arith.constant 0 : i32
    %dma_start3A_55 = arith.constant 0 : i32
    %dma_start3A_56 = tpu.memref_slice %arg3[%dma_start3A_47, %dma_start3A_53, %dma_start3A_54, %dma_start3A_55] : memref<2x16x40x512xi32, #tpu.memory_space<hbm>> -> memref<1x16x40x512xi32, #tpu.memory_space<hbm>>
    %dma_start3A_57 = tpu.memref_squeeze %dma_start3A_56 : memref<1x16x40x512xi32, #tpu.memory_space<hbm>> -> memref<16x40x512xi32, #tpu.memory_space<hbm>>
    %dma_start3A_58 = arith.constant 0 : i32
    %dma_start3A_59 = tpu.memref_slice %dma_start3A_57[%arg1, %dma_start3A_48, %dma_start3A_58] : memref<16x40x512xi32, #tpu.memory_space<hbm>> -> memref<1x1x512xi32, #tpu.memory_space<hbm>>
    %dma_start3A_60 = tpu.memref_squeeze %dma_start3A_59 : memref<1x1x512xi32, #tpu.memory_space<hbm>> -> memref<512xi32, #tpu.memory_space<hbm>>
    %dma_start3A_61 = arith.constant 0 : i32
    %dma_start3A_62 = tpu.memref_slice %arg6[%dma_start3A_49, %dma_start3A_61] : memref<2x512xi32, #tpu.memory_space<vmem>> -> memref<1x512xi32, #tpu.memory_space<vmem>>
    %dma_start3A_63 = tpu.memref_squeeze %dma_start3A_62 : memref<1x512xi32, #tpu.memory_space<vmem>> -> memref<512xi32, #tpu.memory_space<vmem>>
    %dma_start3A_64 = arith.constant 0 : i32
    %dma_start3A_65 = arith.constant 0 : i32
    %dma_start3A_66 = arith.constant 0 : i32
    %dma_start3A_67 = tpu.memref_slice %arg3[%dma_start3A_47, %dma_start3A_64, %dma_start3A_65, %dma_start3A_66] : memref<2x16x40x512xi32, #tpu.memory_space<hbm>> -> memref<1x16x40x512xi32, #tpu.memory_space<hbm>>
    %dma_start3A_68 = tpu.memref_squeeze %dma_start3A_67 : memref<1x16x40x512xi32, #tpu.memory_space<hbm>> -> memref<16x40x512xi32, #tpu.memory_space<hbm>>
    %dma_start3A_69 = arith.constant 0 : i32
    %dma_start3A_70 = tpu.memref_slice %dma_start3A_68[%arg1, %dma_start3A_48, %dma_start3A_69] : memref<16x40x512xi32, #tpu.memory_space<hbm>> -> memref<1x1x512xi32, #tpu.memory_space<hbm>>
    %dma_start3A_71 = tpu.memref_squeeze %dma_start3A_70 : memref<1x1x512xi32, #tpu.memory_space<hbm>> -> memref<512xi32, #tpu.memory_space<hbm>>
    tpu.enqueue_dma source(%dma_start3A_71 : memref<512xi32, #tpu.memory_space<hbm>>) target(%dma_start3A_63 : memref<512xi32, #tpu.memory_space<vmem>>) target_semaphore(%arg13 : memref<!tpu.dma_semaphore, #tpu.memory_space<semaphore_mem>>)
    %scan3A = arith.constant 0 : i32
    %scan3A_72 = arith.constant 1 : i32
    %scan3A_73 = arith.constant 0 : i32
    %scan3A_74 = arith.constant 20 : i32
    %scan3A_75 = arith.addi %scan3A_73, %scan3A_74 : i32
    %scan3A_76 = arith.constant 1 : i32
    scf.for %scan3A_79 = %scan3A_73 to %scan3A_75 step %scan3A_76  : i32 {
      %mul3A_80 = arith.constant 2 : i32
      %mul3A_81 = arith.muli %mul3A_80, %scan3A_79 : i32
      %dma_wait3A = arith.constant 0 : i32
      %dma_wait3A_82 = tpu.memref_slice %arg5[%mul3A_81, %dma_wait3A] : memref<40x512xi32, #tpu.memory_space<vmem>> -> memref<1x512xi32, #tpu.memory_space<vmem>>
      %dma_wait3A_83 = tpu.memref_squeeze %dma_wait3A_82 : memref<1x512xi32, #tpu.memory_space<vmem>> -> memref<512xi32, #tpu.memory_space<vmem>>
      %dma_wait3A_84 = arith.constant 0 : i32
      %dma_wait3A_85 = arith.constant 0 : i32
      %dma_wait3A_86 = tpu.memref_slice %arg2[%arg0, %dma_wait3A_84, %dma_wait3A_85] : memref<2x10240x64xf32, #tpu.memory_space<hbm>> -> memref<1x10240x64xf32, #tpu.memory_space<hbm>>
      %dma_wait3A_87 = tpu.memref_squeeze %dma_wait3A_86 : memref<1x10240x64xf32, #tpu.memory_space<hbm>> -> memref<10240x64xf32, #tpu.memory_space<hbm>>
      %dma_wait3A_88 = arith.constant 0 : i32
      %dma_wait3A_89 = arith.constant 0 : i32
      %dma_wait3A_90 = tpu.memref_slice %dma_wait3A_87[%dma_wait3A_88, %dma_wait3A_89] : memref<10240x64xf32, #tpu.memory_space<hbm>> -> memref<10240x64xf32, #tpu.memory_space<hbm>>
      tpu.wait_indirect_dma semaphore(%arg10 : memref<!tpu.dma_semaphore, #tpu.memory_space<semaphore_mem>>) src(%dma_wait3A_90 : memref<10240x64xf32, #tpu.memory_space<hbm>>) dst(%arg7 : memref<512x64xf32, #tpu.memory_space<vmem>>)
      %dma_wait3A_91 = arith.constant 0 : i32
      %dma_wait3A_92 = arith.constant 0 : i32
      %dma_wait3A_93 = tpu.memref_slice %arg6[%dma_wait3A_91, %dma_wait3A_92] : memref<2x512xi32, #tpu.memory_space<vmem>> -> memref<1x512xi32, #tpu.memory_space<vmem>>
      %dma_wait3A_94 = tpu.memref_squeeze %dma_wait3A_93 : memref<1x512xi32, #tpu.memory_space<vmem>> -> memref<512xi32, #tpu.memory_space<vmem>>
      %dma_wait3A_95 = arith.constant 0 : i32
      %dma_wait3A_96 = arith.constant 0 : i32
      %dma_wait3A_97 = arith.constant 0 : i32
      %dma_wait3A_98 = tpu.memref_slice %arg3[%scan3A_72, %dma_wait3A_95, %dma_wait3A_96, %dma_wait3A_97] : memref<2x16x40x512xi32, #tpu.memory_space<hbm>> -> memref<1x16x40x512xi32, #tpu.memory_space<hbm>>
      %dma_wait3A_99 = tpu.memref_squeeze %dma_wait3A_98 : memref<1x16x40x512xi32, #tpu.memory_space<hbm>> -> memref<16x40x512xi32, #tpu.memory_space<hbm>>
      %dma_wait3A_100 = arith.constant 0 : i32
      %dma_wait3A_101 = tpu.memref_slice %dma_wait3A_99[%arg1, %mul3A_81, %dma_wait3A_100] : memref<16x40x512xi32, #tpu.memory_space<hbm>> -> memref<1x1x512xi32, #tpu.memory_space<hbm>>
      %dma_wait3A_102 = tpu.memref_squeeze %dma_wait3A_101 : memref<1x1x512xi32, #tpu.memory_space<hbm>> -> memref<512xi32, #tpu.memory_space<hbm>>
      %dma_wait3A_103 = arith.constant 0 : i32
      %dma_wait3A_104 = tpu.memref_slice %arg6[%dma_wait3A_91, %dma_wait3A_103] : memref<2x512xi32, #tpu.memory_space<vmem>> -> memref<1x512xi32, #tpu.memory_space<vmem>>
      %dma_wait3A_105 = tpu.memref_squeeze %dma_wait3A_104 : memref<1x512xi32, #tpu.memory_space<vmem>> -> memref<512xi32, #tpu.memory_space<vmem>>
      %dma_wait3A_106 = arith.constant 0 : i32
      %dma_wait3A_107 = arith.constant 0 : i32
      %dma_wait3A_108 = arith.constant 0 : i32
      %dma_wait3A_109 = tpu.memref_slice %arg3[%scan3A_72, %dma_wait3A_106, %dma_wait3A_107, %dma_wait3A_108] : memref<2x16x40x512xi32, #tpu.memory_space<hbm>> -> memref<1x16x40x512xi32, #tpu.memory_space<hbm>>
      %dma_wait3A_110 = tpu.memref_squeeze %dma_wait3A_109 : memref<1x16x40x512xi32, #tpu.memory_space<hbm>> -> memref<16x40x512xi32, #tpu.memory_space<hbm>>
      %dma_wait3A_111 = arith.constant 0 : i32
      %dma_wait3A_112 = tpu.memref_slice %dma_wait3A_110[%arg1, %mul3A_81, %dma_wait3A_111] : memref<16x40x512xi32, #tpu.memory_space<hbm>> -> memref<1x1x512xi32, #tpu.memory_space<hbm>>
      %dma_wait3A_113 = tpu.memref_squeeze %dma_wait3A_112 : memref<1x1x512xi32, #tpu.memory_space<hbm>> -> memref<512xi32, #tpu.memory_space<hbm>>
      tpu.wait_dma2 semaphore(%arg12 : memref<!tpu.dma_semaphore, #tpu.memory_space<semaphore_mem>>) src(%dma_wait3A_113 : memref<512xi32, #tpu.memory_space<hbm>>) dst(%dma_wait3A_105 : memref<512xi32, #tpu.memory_space<vmem>>)
      %run_scoped3A_114 = arith.constant 0 : i32
      "tpu.region"() ({
        %run_scoped3A_132 = tpu.sem_alloc : memref<!tpu.dma_semaphore, #tpu.memory_space<semaphore_mem>>
        %dma_start3A_133 = arith.constant 0 : i32
        %dma_start3A_134 = tpu.memref_slice %arg6[%run_scoped3A_114, %dma_start3A_133] : memref<2x512xi32, #tpu.memory_space<vmem>> -> memref<1x512xi32, #tpu.memory_space<vmem>>
        %dma_start3A_135 = tpu.memref_squeeze %dma_start3A_134 : memref<1x512xi32, #tpu.memory_space<vmem>> -> memref<512xi32, #tpu.memory_space<vmem>>
        %dma_start3A_136 = arith.constant 0 : i32
        %dma_start3A_137 = arith.constant 0 : i32
        %dma_start3A_138 = tpu.memref_slice %arg9[%dma_start3A_136, %dma_start3A_137] : memref<10240x64xf32, #tpu.memory_space<vmem_shared>> -> memref<10240x64xf32, #tpu.memory_space<vmem_shared>>
        tpu.enqueue_indirect_dma source(%arg7 : memref<512x64xf32, #tpu.memory_space<vmem>>) target(%dma_start3A_138 : memref<10240x64xf32, #tpu.memory_space<vmem_shared>>) offsets(%dma_start3A_135 : memref<512xi32, #tpu.memory_space<vmem>>) semaphore(%run_scoped3A_132 : memref<!tpu.dma_semaphore, #tpu.memory_space<semaphore_mem>>) {add = true}
        %dma_wait3A_139 = arith.constant 0 : i32
        %dma_wait3A_140 = tpu.memref_slice %arg6[%run_scoped3A_114, %dma_wait3A_139] : memref<2x512xi32, #tpu.memory_space<vmem>> -> memref<1x512xi32, #tpu.memory_space<vmem>>
        %dma_wait3A_141 = tpu.memref_squeeze %dma_wait3A_140 : memref<1x512xi32, #tpu.memory_space<vmem>> -> memref<512xi32, #tpu.memory_space<vmem>>
        %dma_wait3A_142 = arith.constant 0 : i32
        %dma_wait3A_143 = arith.constant 0 : i32
        %dma_wait3A_144 = tpu.memref_slice %arg9[%dma_wait3A_142, %dma_wait3A_143] : memref<10240x64xf32, #tpu.memory_space<vmem_shared>> -> memref<10240x64xf32, #tpu.memory_space<vmem_shared>>
        tpu.wait_indirect_dma semaphore(%run_scoped3A_132 : memref<!tpu.dma_semaphore, #tpu.memory_space<semaphore_mem>>) src(%arg7 : memref<512x64xf32, #tpu.memory_space<vmem>>) dst(%dma_wait3A_144 : memref<10240x64xf32, #tpu.memory_space<vmem_shared>>)
        tpu.yield
      }) : () -> ()
      %add3A = arith.constant 2 : i32
      %add3A_115 = arith.addi %mul3A_81, %add3A : i32
      %lt3A = arith.constant 40 : i32
      %lt3A_116 = arith.cmpi slt, %add3A_115, %lt3A : i32
      %convert_element_type3A = arith.extui %lt3A_116 : i1 to i32
      %cond3A = arith.constant 0 : i32
      %cond3A_117 = arith.cmpi ne, %convert_element_type3A, %cond3A : i32
      scf.if %cond3A_117 {
        %add3A_132 = arith.constant 2 : i32
        %add3A_133 = arith.addi %mul3A_81, %add3A_132 : i32
        %dma_start3A_134 = arith.constant 0 : i32
        %dma_start3A_135 = tpu.memref_slice %arg5[%add3A_133, %dma_start3A_134] : memref<40x512xi32, #tpu.memory_space<vmem>> -> memref<1x512xi32, #tpu.memory_space<vmem>>
        %dma_start3A_136 = tpu.memref_squeeze %dma_start3A_135 : memref<1x512xi32, #tpu.memory_space<vmem>> -> memref<512xi32, #tpu.memory_space<vmem>>
        %dma_start3A_137 = arith.constant 0 : i32
        %dma_start3A_138 = arith.constant 0 : i32
        %dma_start3A_139 = tpu.memref_slice %arg2[%arg0, %dma_start3A_137, %dma_start3A_138] : memref<2x10240x64xf32, #tpu.memory_space<hbm>> -> memref<1x10240x64xf32, #tpu.memory_space<hbm>>
        %dma_start3A_140 = tpu.memref_squeeze %dma_start3A_139 : memref<1x10240x64xf32, #tpu.memory_space<hbm>> -> memref<10240x64xf32, #tpu.memory_space<hbm>>
        %dma_start3A_141 = arith.constant 0 : i32
        %dma_start3A_142 = arith.constant 0 : i32
        %dma_start3A_143 = tpu.memref_slice %dma_start3A_140[%dma_start3A_141, %dma_start3A_142] : memref<10240x64xf32, #tpu.memory_space<hbm>> -> memref<10240x64xf32, #tpu.memory_space<hbm>>
        tpu.enqueue_indirect_dma source(%dma_start3A_143 : memref<10240x64xf32, #tpu.memory_space<hbm>>) target(%arg7 : memref<512x64xf32, #tpu.memory_space<vmem>>) offsets(%dma_start3A_136 : memref<512xi32, #tpu.memory_space<vmem>>) semaphore(%arg10 : memref<!tpu.dma_semaphore, #tpu.memory_space<semaphore_mem>>)
        %add3A_144 = arith.constant 2 : i32
        %add3A_145 = arith.addi %mul3A_81, %add3A_144 : i32
        %dma_start3A_146 = arith.constant 0 : i32
        %dma_start3A_147 = arith.constant 0 : i32
        %dma_start3A_148 = tpu.memref_slice %arg6[%dma_start3A_146, %dma_start3A_147] : memref<2x512xi32, #tpu.memory_space<vmem>> -> memref<1x512xi32, #tpu.memory_space<vmem>>
        %dma_start3A_149 = tpu.memref_squeeze %dma_start3A_148 : memref<1x512xi32, #tpu.memory_space<vmem>> -> memref<512xi32, #tpu.memory_space<vmem>>
        %dma_start3A_150 = arith.constant 0 : i32
        %dma_start3A_151 = arith.constant 0 : i32
        %dma_start3A_152 = arith.constant 0 : i32
        %dma_start3A_153 = tpu.memref_slice %arg3[%scan3A_72, %dma_start3A_150, %dma_start3A_151, %dma_start3A_152] : memref<2x16x40x512xi32, #tpu.memory_space<hbm>> -> memref<1x16x40x512xi32, #tpu.memory_space<hbm>>
        %dma_start3A_154 = tpu.memref_squeeze %dma_start3A_153 : memref<1x16x40x512xi32, #tpu.memory_space<hbm>> -> memref<16x40x512xi32, #tpu.memory_space<hbm>>
        %dma_start3A_155 = arith.constant 0 : i32
        %dma_start3A_156 = tpu.memref_slice %dma_start3A_154[%arg1, %add3A_145, %dma_start3A_155] : memref<16x40x512xi32, #tpu.memory_space<hbm>> -> memref<1x1x512xi32, #tpu.memory_space<hbm>>
        %dma_start3A_157 = tpu.memref_squeeze %dma_start3A_156 : memref<1x1x512xi32, #tpu.memory_space<hbm>> -> memref<512xi32, #tpu.memory_space<hbm>>
        %dma_start3A_158 = arith.constant 0 : i32
        %dma_start3A_159 = tpu.memref_slice %arg6[%dma_start3A_146, %dma_start3A_158] : memref<2x512xi32, #tpu.memory_space<vmem>> -> memref<1x512xi32, #tpu.memory_space<vmem>>
        %dma_start3A_160 = tpu.memref_squeeze %dma_start3A_159 : memref<1x512xi32, #tpu.memory_space<vmem>> -> memref<512xi32, #tpu.memory_space<vmem>>
        %dma_start3A_161 = arith.constant 0 : i32
        %dma_start3A_162 = arith.constant 0 : i32
        %dma_start3A_163 = arith.constant 0 : i32
        %dma_start3A_164 = tpu.memref_slice %arg3[%scan3A_72, %dma_start3A_161, %dma_start3A_162, %dma_start3A_163] : memref<2x16x40x512xi32, #tpu.memory_space<hbm>> -> memref<1x16x40x512xi32, #tpu.memory_space<hbm>>
        %dma_start3A_165 = tpu.memref_squeeze %dma_start3A_164 : memref<1x16x40x512xi32, #tpu.memory_space<hbm>> -> memref<16x40x512xi32, #tpu.memory_space<hbm>>
        %dma_start3A_166 = arith.constant 0 : i32
        %dma_start3A_167 = tpu.memref_slice %dma_start3A_165[%arg1, %add3A_145, %dma_start3A_166] : memref<16x40x512xi32, #tpu.memory_space<hbm>> -> memref<1x1x512xi32, #tpu.memory_space<hbm>>
        %dma_start3A_168 = tpu.memref_squeeze %dma_start3A_167 : memref<1x1x512xi32, #tpu.memory_space<hbm>> -> memref<512xi32, #tpu.memory_space<hbm>>
        tpu.enqueue_dma source(%dma_start3A_168 : memref<512xi32, #tpu.memory_space<hbm>>) target(%dma_start3A_160 : memref<512xi32, #tpu.memory_space<vmem>>) target_semaphore(%arg12 : memref<!tpu.dma_semaphore, #tpu.memory_space<semaphore_mem>>)
      } else {
      }
      %add3A_118 = arith.constant 1 : i32
      %add3A_119 = arith.addi %mul3A_81, %add3A_118 : i32
      %lt3A_120 = arith.constant 40 : i32
      %lt3A_121 = arith.cmpi slt, %add3A_119, %lt3A_120 : i32
      %convert_element_type3A_122 = arith.extui %lt3A_121 : i1 to i32
      %cond3A_123 = arith.constant 0 : i32
      %cond3A_124 = arith.cmpi ne, %convert_element_type3A_122, %cond3A_123 : i32
      scf.if %cond3A_124 {
        %add3A_132 = arith.constant 1 : i32
        %add3A_133 = arith.addi %mul3A_81, %add3A_132 : i32
        %dma_wait3A_134 = arith.constant 0 : i32
        %dma_wait3A_135 = tpu.memref_slice %arg5[%add3A_133, %dma_wait3A_134] : memref<40x512xi32, #tpu.memory_space<vmem>> -> memref<1x512xi32, #tpu.memory_space<vmem>>
        %dma_wait3A_136 = tpu.memref_squeeze %dma_wait3A_135 : memref<1x512xi32, #tpu.memory_space<vmem>> -> memref<512xi32, #tpu.memory_space<vmem>>
        %dma_wait3A_137 = arith.constant 0 : i32
        %dma_wait3A_138 = arith.constant 0 : i32
        %dma_wait3A_139 = tpu.memref_slice %arg2[%arg0, %dma_wait3A_137, %dma_wait3A_138] : memref<2x10240x64xf32, #tpu.memory_space<hbm>> -> memref<1x10240x64xf32, #tpu.memory_space<hbm>>
        %dma_wait3A_140 = tpu.memref_squeeze %dma_wait3A_139 : memref<1x10240x64xf32, #tpu.memory_space<hbm>> -> memref<10240x64xf32, #tpu.memory_space<hbm>>
        %dma_wait3A_141 = arith.constant 0 : i32
        %dma_wait3A_142 = arith.constant 0 : i32
        %dma_wait3A_143 = tpu.memref_slice %dma_wait3A_140[%dma_wait3A_141, %dma_wait3A_142] : memref<10240x64xf32, #tpu.memory_space<hbm>> -> memref<10240x64xf32, #tpu.memory_space<hbm>>
        tpu.wait_indirect_dma semaphore(%arg11 : memref<!tpu.dma_semaphore, #tpu.memory_space<semaphore_mem>>) src(%dma_wait3A_143 : memref<10240x64xf32, #tpu.memory_space<hbm>>) dst(%arg8 : memref<512x64xf32, #tpu.memory_space<vmem>>)
        %add3A_144 = arith.constant 1 : i32
        %add3A_145 = arith.addi %mul3A_81, %add3A_144 : i32
        %dma_wait3A_146 = arith.constant 1 : i32
        %dma_wait3A_147 = arith.constant 0 : i32
        %dma_wait3A_148 = tpu.memref_slice %arg6[%dma_wait3A_146, %dma_wait3A_147] : memref<2x512xi32, #tpu.memory_space<vmem>> -> memref<1x512xi32, #tpu.memory_space<vmem>>
        %dma_wait3A_149 = tpu.memref_squeeze %dma_wait3A_148 : memref<1x512xi32, #tpu.memory_space<vmem>> -> memref<512xi32, #tpu.memory_space<vmem>>
        %dma_wait3A_150 = arith.constant 0 : i32
        %dma_wait3A_151 = arith.constant 0 : i32
        %dma_wait3A_152 = arith.constant 0 : i32
        %dma_wait3A_153 = tpu.memref_slice %arg3[%scan3A_72, %dma_wait3A_150, %dma_wait3A_151, %dma_wait3A_152] : memref<2x16x40x512xi32, #tpu.memory_space<hbm>> -> memref<1x16x40x512xi32, #tpu.memory_space<hbm>>
        %dma_wait3A_154 = tpu.memref_squeeze %dma_wait3A_153 : memref<1x16x40x512xi32, #tpu.memory_space<hbm>> -> memref<16x40x512xi32, #tpu.memory_space<hbm>>
        %dma_wait3A_155 = arith.constant 0 : i32
        %dma_wait3A_156 = tpu.memref_slice %dma_wait3A_154[%arg1, %add3A_145, %dma_wait3A_155] : memref<16x40x512xi32, #tpu.memory_space<hbm>> -> memref<1x1x512xi32, #tpu.memory_space<hbm>>
        %dma_wait3A_157 = tpu.memref_squeeze %dma_wait3A_156 : memref<1x1x512xi32, #tpu.memory_space<hbm>> -> memref<512xi32, #tpu.memory_space<hbm>>
        %dma_wait3A_158 = arith.constant 0 : i32
        %dma_wait3A_159 = tpu.memref_slice %arg6[%dma_wait3A_146, %dma_wait3A_158] : memref<2x512xi32, #tpu.memory_space<vmem>> -> memref<1x512xi32, #tpu.memory_space<vmem>>
        %dma_wait3A_160 = tpu.memref_squeeze %dma_wait3A_159 : memref<1x512xi32, #tpu.memory_space<vmem>> -> memref<512xi32, #tpu.memory_space<vmem>>
        %dma_wait3A_161 = arith.constant 0 : i32
        %dma_wait3A_162 = arith.constant 0 : i32
        %dma_wait3A_163 = arith.constant 0 : i32
        %dma_wait3A_164 = tpu.memref_slice %arg3[%scan3A_72, %dma_wait3A_161, %dma_wait3A_162, %dma_wait3A_163] : memref<2x16x40x512xi32, #tpu.memory_space<hbm>> -> memref<1x16x40x512xi32, #tpu.memory_space<hbm>>
        %dma_wait3A_165 = tpu.memref_squeeze %dma_wait3A_164 : memref<1x16x40x512xi32, #tpu.memory_space<hbm>> -> memref<16x40x512xi32, #tpu.memory_space<hbm>>
        %dma_wait3A_166 = arith.constant 0 : i32
        %dma_wait3A_167 = tpu.memref_slice %dma_wait3A_165[%arg1, %add3A_145, %dma_wait3A_166] : memref<16x40x512xi32, #tpu.memory_space<hbm>> -> memref<1x1x512xi32, #tpu.memory_space<hbm>>
        %dma_wait3A_168 = tpu.memref_squeeze %dma_wait3A_167 : memref<1x1x512xi32, #tpu.memory_space<hbm>> -> memref<512xi32, #tpu.memory_space<hbm>>
        tpu.wait_dma2 semaphore(%arg13 : memref<!tpu.dma_semaphore, #tpu.memory_space<semaphore_mem>>) src(%dma_wait3A_168 : memref<512xi32, #tpu.memory_space<hbm>>) dst(%dma_wait3A_160 : memref<512xi32, #tpu.memory_space<vmem>>)
        %run_scoped3A_169 = arith.constant 1 : i32
        "tpu.region"() ({
          %run_scoped3A_170 = tpu.sem_alloc : memref<!tpu.dma_semaphore, #tpu.memory_space<semaphore_mem>>
          %dma_start3A_171 = arith.constant 0 : i32
          %dma_start3A_172 = tpu.memref_slice %arg6[%run_scoped3A_169, %dma_start3A_171] : memref<2x512xi32, #tpu.memory_space<vmem>> -> memref<1x512xi32, #tpu.memory_space<vmem>>
          %dma_start3A_173 = tpu.memref_squeeze %dma_start3A_172 : memref<1x512xi32, #tpu.memory_space<vmem>> -> memref<512xi32, #tpu.memory_space<vmem>>
          %dma_start3A_174 = arith.constant 0 : i32
          %dma_start3A_175 = arith.constant 0 : i32
          %dma_start3A_176 = tpu.memref_slice %arg9[%dma_start3A_174, %dma_start3A_175] : memref<10240x64xf32, #tpu.memory_space<vmem_shared>> -> memref<10240x64xf32, #tpu.memory_space<vmem_shared>>
          tpu.enqueue_indirect_dma source(%arg8 : memref<512x64xf32, #tpu.memory_space<vmem>>) target(%dma_start3A_176 : memref<10240x64xf32, #tpu.memory_space<vmem_shared>>) offsets(%dma_start3A_173 : memref<512xi32, #tpu.memory_space<vmem>>) semaphore(%run_scoped3A_170 : memref<!tpu.dma_semaphore, #tpu.memory_space<semaphore_mem>>) {add = true}
          %dma_wait3A_177 = arith.constant 0 : i32
          %dma_wait3A_178 = tpu.memref_slice %arg6[%run_scoped3A_169, %dma_wait3A_177] : memref<2x512xi32, #tpu.memory_space<vmem>> -> memref<1x512xi32, #tpu.memory_space<vmem>>
          %dma_wait3A_179 = tpu.memref_squeeze %dma_wait3A_178 : memref<1x512xi32, #tpu.memory_space<vmem>> -> memref<512xi32, #tpu.memory_space<vmem>>
          %dma_wait3A_180 = arith.constant 0 : i32
          %dma_wait3A_181 = arith.constant 0 : i32
          %dma_wait3A_182 = tpu.memref_slice %arg9[%dma_wait3A_180, %dma_wait3A_181] : memref<10240x64xf32, #tpu.memory_space<vmem_shared>> -> memref<10240x64xf32, #tpu.memory_space<vmem_shared>>
          tpu.wait_indirect_dma semaphore(%run_scoped3A_170 : memref<!tpu.dma_semaphore, #tpu.memory_space<semaphore_mem>>) src(%arg8 : memref<512x64xf32, #tpu.memory_space<vmem>>) dst(%dma_wait3A_182 : memref<10240x64xf32, #tpu.memory_space<vmem_shared>>)
          tpu.yield
        }) : () -> ()
      } else {
      }
      %add3A_125 = arith.constant 3 : i32
      %add3A_126 = arith.addi %mul3A_81, %add3A_125 : i32
      %lt3A_127 = arith.constant 40 : i32
      %lt3A_128 = arith.cmpi slt, %add3A_126, %lt3A_127 : i32
      %convert_element_type3A_129 = arith.extui %lt3A_128 : i1 to i32
      %cond3A_130 = arith.constant 0 : i32
      %cond3A_131 = arith.cmpi ne, %convert_element_type3A_129, %cond3A_130 : i32
      scf.if %cond3A_131 {
        %add3A_132 = arith.constant 3 : i32
        %add3A_133 = arith.addi %mul3A_81, %add3A_132 : i32
        %dma_start3A_134 = arith.constant 0 : i32
        %dma_start3A_135 = tpu.memref_slice %arg5[%add3A_133, %dma_start3A_134] : memref<40x512xi32, #tpu.memory_space<vmem>> -> memref<1x512xi32, #tpu.memory_space<vmem>>
        %dma_start3A_136 = tpu.memref_squeeze %dma_start3A_135 : memref<1x512xi32, #tpu.memory_space<vmem>> -> memref<512xi32, #tpu.memory_space<vmem>>
        %dma_start3A_137 = arith.constant 0 : i32
        %dma_start3A_138 = arith.constant 0 : i32
        %dma_start3A_139 = tpu.memref_slice %arg2[%arg0, %dma_start3A_137, %dma_start3A_138] : memref<2x10240x64xf32, #tpu.memory_space<hbm>> -> memref<1x10240x64xf32, #tpu.memory_space<hbm>>
        %dma_start3A_140 = tpu.memref_squeeze %dma_start3A_139 : memref<1x10240x64xf32, #tpu.memory_space<hbm>> -> memref<10240x64xf32, #tpu.memory_space<hbm>>
        %dma_start3A_141 = arith.constant 0 : i32
        %dma_start3A_142 = arith.constant 0 : i32
        %dma_start3A_143 = tpu.memref_slice %dma_start3A_140[%dma_start3A_141, %dma_start3A_142] : memref<10240x64xf32, #tpu.memory_space<hbm>> -> memref<10240x64xf32, #tpu.memory_space<hbm>>
        tpu.enqueue_indirect_dma source(%dma_start3A_143 : memref<10240x64xf32, #tpu.memory_space<hbm>>) target(%arg8 : memref<512x64xf32, #tpu.memory_space<vmem>>) offsets(%dma_start3A_136 : memref<512xi32, #tpu.memory_space<vmem>>) semaphore(%arg11 : memref<!tpu.dma_semaphore, #tpu.memory_space<semaphore_mem>>)
        %add3A_144 = arith.constant 3 : i32
        %add3A_145 = arith.addi %mul3A_81, %add3A_144 : i32
        %dma_start3A_146 = arith.constant 1 : i32
        %dma_start3A_147 = arith.constant 0 : i32
        %dma_start3A_148 = tpu.memref_slice %arg6[%dma_start3A_146, %dma_start3A_147] : memref<2x512xi32, #tpu.memory_space<vmem>> -> memref<1x512xi32, #tpu.memory_space<vmem>>
        %dma_start3A_149 = tpu.memref_squeeze %dma_start3A_148 : memref<1x512xi32, #tpu.memory_space<vmem>> -> memref<512xi32, #tpu.memory_space<vmem>>
        %dma_start3A_150 = arith.constant 0 : i32
        %dma_start3A_151 = arith.constant 0 : i32
        %dma_start3A_152 = arith.constant 0 : i32
        %dma_start3A_153 = tpu.memref_slice %arg3[%scan3A_72, %dma_start3A_150, %dma_start3A_151, %dma_start3A_152] : memref<2x16x40x512xi32, #tpu.memory_space<hbm>> -> memref<1x16x40x512xi32, #tpu.memory_space<hbm>>
        %dma_start3A_154 = tpu.memref_squeeze %dma_start3A_153 : memref<1x16x40x512xi32, #tpu.memory_space<hbm>> -> memref<16x40x512xi32, #tpu.memory_space<hbm>>
        %dma_start3A_155 = arith.constant 0 : i32
        %dma_start3A_156 = tpu.memref_slice %dma_start3A_154[%arg1, %add3A_145, %dma_start3A_155] : memref<16x40x512xi32, #tpu.memory_space<hbm>> -> memref<1x1x512xi32, #tpu.memory_space<hbm>>
        %dma_start3A_157 = tpu.memref_squeeze %dma_start3A_156 : memref<1x1x512xi32, #tpu.memory_space<hbm>> -> memref<512xi32, #tpu.memory_space<hbm>>
        %dma_start3A_158 = arith.constant 0 : i32
        %dma_start3A_159 = tpu.memref_slice %arg6[%dma_start3A_146, %dma_start3A_158] : memref<2x512xi32, #tpu.memory_space<vmem>> -> memref<1x512xi32, #tpu.memory_space<vmem>>
        %dma_start3A_160 = tpu.memref_squeeze %dma_start3A_159 : memref<1x512xi32, #tpu.memory_space<vmem>> -> memref<512xi32, #tpu.memory_space<vmem>>
        %dma_start3A_161 = arith.constant 0 : i32
        %dma_start3A_162 = arith.constant 0 : i32
        %dma_start3A_163 = arith.constant 0 : i32
        %dma_start3A_164 = tpu.memref_slice %arg3[%scan3A_72, %dma_start3A_161, %dma_start3A_162, %dma_start3A_163] : memref<2x16x40x512xi32, #tpu.memory_space<hbm>> -> memref<1x16x40x512xi32, #tpu.memory_space<hbm>>
        %dma_start3A_165 = tpu.memref_squeeze %dma_start3A_164 : memref<1x16x40x512xi32, #tpu.memory_space<hbm>> -> memref<16x40x512xi32, #tpu.memory_space<hbm>>
        %dma_start3A_166 = arith.constant 0 : i32
        %dma_start3A_167 = tpu.memref_slice %dma_start3A_165[%arg1, %add3A_145, %dma_start3A_166] : memref<16x40x512xi32, #tpu.memory_space<hbm>> -> memref<1x1x512xi32, #tpu.memory_space<hbm>>
        %dma_start3A_168 = tpu.memref_squeeze %dma_start3A_167 : memref<1x1x512xi32, #tpu.memory_space<hbm>> -> memref<512xi32, #tpu.memory_space<hbm>>
        tpu.enqueue_dma source(%dma_start3A_168 : memref<512xi32, #tpu.memory_space<hbm>>) target(%dma_start3A_160 : memref<512xi32, #tpu.memory_space<vmem>>) target_semaphore(%arg13 : memref<!tpu.dma_semaphore, #tpu.memory_space<semaphore_mem>>)
      } else {
      }
    }
    %scan3A_77 = arith.constant 20 : i32
    %barrier3A_78 = arith.constant 0 : index
    tpu.barrier barrier_id(%barrier3A_78)
    "tpu.region"() ({
      %run_scoped3A_79 = tpu.sem_alloc : memref<!tpu.dma_semaphore, #tpu.memory_space<semaphore_mem>>
      %dma_start3A_80 = arith.constant 0 : i32
      %dma_start3A_81 = tpu.memref_slice %arg4[%arg0, %mul3A_0, %dma_start3A_80] : memref<2x10240x64xf32, #tpu.memory_space<hbm>> -> memref<1x640x64xf32, #tpu.memory_space<hbm>>
      %dma_start3A_82 = tpu.memref_squeeze %dma_start3A_81 : memref<1x640x64xf32, #tpu.memory_space<hbm>> -> memref<640x64xf32, #tpu.memory_space<hbm>>
      %dma_start3A_83 = arith.constant 0 : i32
      %dma_start3A_84 = tpu.memref_slice %arg9[%mul3A_0, %dma_start3A_83] : memref<10240x64xf32, #tpu.memory_space<vmem_shared>> -> memref<640x64xf32, #tpu.memory_space<vmem_shared>>
      tpu.enqueue_dma source(%dma_start3A_84 : memref<640x64xf32, #tpu.memory_space<vmem_shared>>) target(%dma_start3A_82 : memref<640x64xf32, #tpu.memory_space<hbm>>) target_semaphore(%run_scoped3A_79 : memref<!tpu.dma_semaphore, #tpu.memory_space<semaphore_mem>>)
      %dma_wait3A = arith.constant 0 : i32
      %dma_wait3A_85 = tpu.memref_slice %arg4[%arg0, %mul3A_0, %dma_wait3A] : memref<2x10240x64xf32, #tpu.memory_space<hbm>> -> memref<1x640x64xf32, #tpu.memory_space<hbm>>
      %dma_wait3A_86 = tpu.memref_squeeze %dma_wait3A_85 : memref<1x640x64xf32, #tpu.memory_space<hbm>> -> memref<640x64xf32, #tpu.memory_space<hbm>>
      %dma_wait3A_87 = arith.constant 0 : i32
      %dma_wait3A_88 = tpu.memref_slice %arg9[%mul3A_0, %dma_wait3A_87] : memref<10240x64xf32, #tpu.memory_space<vmem_shared>> -> memref<640x64xf32, #tpu.memory_space<vmem_shared>>
      tpu.wait_dma2 semaphore(%run_scoped3A_79 : memref<!tpu.dma_semaphore, #tpu.memory_space<semaphore_mem>>) src(%dma_wait3A_88 : memref<640x64xf32, #tpu.memory_space<vmem_shared>>) dst(%dma_wait3A_86 : memref<640x64xf32, #tpu.memory_space<hbm>>)
      tpu.yield
    }) : () -> ()
    return
  }
}

#map = affine_map<(d0, d1) -> (0, 0, 0, 0)>
#map1 = affine_map<(d0, d1) -> (0, 0)>
module attributes {stable_mosaic.version = 14 : i64} {
  func.func @_deg_call(%arg0: i32, %arg1: i32, %arg2: memref<2x16x79x128xi32, #tpu.memory_space<hbm>>, %arg3: memref<2x10240xf32, #tpu.memory_space<hbm>>, %arg4: memref<79x128xi32, #tpu.memory_space<vmem>>, %arg5: memref<640xf32, #tpu.memory_space<vmem>>, %arg6: memref<10240xf32, #tpu.memory_space<vmem_shared>>) attributes {dimension_semantics = [#tpu.dimension_semantics<core_parallel>, #tpu.dimension_semantics<subcore_parallel>], iteration_bounds = array<i64: 2, 16>, scalar_prefetch = 0 : i64, scratch_operands = 3 : i64, tpu.core_type = #tpu.core_type<sc_vector_subcore>, window_params = [{transform_indices = #map}, {transform_indices = #map1}]} {
    %mul3A = arith.constant 640 : i32
    %mul3A_0 = arith.muli %arg1, %mul3A : i32
    %scan3A = arith.constant 0 : i32
    %scan3A_1 = arith.constant 0 : i32
    %scan3A_2 = arith.constant 40 : i32
    %scan3A_3 = arith.addi %scan3A_1, %scan3A_2 : i32
    %scan3A_4 = arith.constant 1 : i32
    scf.for %scan3A_13 = %scan3A_1 to %scan3A_3 step %scan3A_4  : i32 {
      %broadcast_in_dim3A = arith.constant 1.000000e+00 : f32
      %broadcast_in_dim3A_14 = vector.broadcast %broadcast_in_dim3A : f32 to vector<16xf32>
      %mul3A_15 = arith.constant 16 : i32
      %mul3A_16 = arith.muli %scan3A_13, %mul3A_15 : i32
      %swap3A = arith.index_cast %mul3A_16 : i32 to index
      %swap3A_17 = tpu.vector_load %arg5[%swap3A] {strides = array<i32>} : memref<640xf32, #tpu.memory_space<vmem>>, vector<16xf32>,
      %swap3A_18 = vector.shape_cast %swap3A_17 : vector<16xf32> to vector<16xf32>
      %swap3A_19 = vector.shape_cast %broadcast_in_dim3A_14 : vector<16xf32> to vector<16xf32>
      tpu.vector_store %arg5[%swap3A], %swap3A_19 {strides = array<i32>} : memref<640xf32, #tpu.memory_space<vmem>>, vector<16xf32>,
    }
    %scan3A_5 = arith.constant 40 : i32
    "tpu.region"() ({
      %run_scoped3A = tpu.sem_alloc : memref<!tpu.dma_semaphore, #tpu.memory_space<semaphore_mem>>
      %dma_start3A = tpu.memref_slice %arg6[%mul3A_0] : memref<10240xf32, #tpu.memory_space<vmem_shared>> -> memref<640xf32, #tpu.memory_space<vmem_shared>>
      %dma_start3A_13 = tpu.memref_slice %arg6[%mul3A_0] : memref<10240xf32, #tpu.memory_space<vmem_shared>> -> memref<640xf32, #tpu.memory_space<vmem_shared>>
      tpu.enqueue_dma source(%arg5 : memref<640xf32, #tpu.memory_space<vmem>>) target(%dma_start3A_13 : memref<640xf32, #tpu.memory_space<vmem_shared>>) target_semaphore(%run_scoped3A : memref<!tpu.dma_semaphore, #tpu.memory_space<semaphore_mem>>)
      %dma_wait3A = tpu.memref_slice %arg6[%mul3A_0] : memref<10240xf32, #tpu.memory_space<vmem_shared>> -> memref<640xf32, #tpu.memory_space<vmem_shared>>
      %dma_wait3A_14 = tpu.memref_slice %arg6[%mul3A_0] : memref<10240xf32, #tpu.memory_space<vmem_shared>> -> memref<640xf32, #tpu.memory_space<vmem_shared>>
      tpu.wait_dma2 semaphore(%run_scoped3A : memref<!tpu.dma_semaphore, #tpu.memory_space<semaphore_mem>>) src(%arg5 : memref<640xf32, #tpu.memory_space<vmem>>) dst(%dma_wait3A_14 : memref<640xf32, #tpu.memory_space<vmem_shared>>)
      tpu.yield
    }) : () -> ()
    "tpu.region"() ({
      %run_scoped3A = tpu.sem_alloc : memref<!tpu.dma_semaphore, #tpu.memory_space<semaphore_mem>>
      %dma_start3A = arith.constant 0 : i32
      %dma_start3A_13 = arith.constant 0 : i32
      %dma_start3A_14 = tpu.memref_slice %arg2[%arg0, %arg1, %dma_start3A, %dma_start3A_13] : memref<2x16x79x128xi32, #tpu.memory_space<hbm>> -> memref<1x1x79x128xi32, #tpu.memory_space<hbm>>
      %dma_start3A_15 = tpu.memref_squeeze %dma_start3A_14 : memref<1x1x79x128xi32, #tpu.memory_space<hbm>> -> memref<79x128xi32, #tpu.memory_space<hbm>>
      %dma_start3A_16 = arith.constant 0 : i32
      %dma_start3A_17 = arith.constant 0 : i32
      %dma_start3A_18 = tpu.memref_slice %arg2[%arg0, %arg1, %dma_start3A_16, %dma_start3A_17] : memref<2x16x79x128xi32, #tpu.memory_space<hbm>> -> memref<1x1x79x128xi32, #tpu.memory_space<hbm>>
      %dma_start3A_19 = tpu.memref_squeeze %dma_start3A_18 : memref<1x1x79x128xi32, #tpu.memory_space<hbm>> -> memref<79x128xi32, #tpu.memory_space<hbm>>
      tpu.enqueue_dma source(%dma_start3A_19 : memref<79x128xi32, #tpu.memory_space<hbm>>) target(%arg4 : memref<79x128xi32, #tpu.memory_space<vmem>>) target_semaphore(%run_scoped3A : memref<!tpu.dma_semaphore, #tpu.memory_space<semaphore_mem>>)
      %dma_wait3A = arith.constant 0 : i32
      %dma_wait3A_20 = arith.constant 0 : i32
      %dma_wait3A_21 = tpu.memref_slice %arg2[%arg0, %arg1, %dma_wait3A, %dma_wait3A_20] : memref<2x16x79x128xi32, #tpu.memory_space<hbm>> -> memref<1x1x79x128xi32, #tpu.memory_space<hbm>>
      %dma_wait3A_22 = tpu.memref_squeeze %dma_wait3A_21 : memref<1x1x79x128xi32, #tpu.memory_space<hbm>> -> memref<79x128xi32, #tpu.memory_space<hbm>>
      %dma_wait3A_23 = arith.constant 0 : i32
      %dma_wait3A_24 = arith.constant 0 : i32
      %dma_wait3A_25 = tpu.memref_slice %arg2[%arg0, %arg1, %dma_wait3A_23, %dma_wait3A_24] : memref<2x16x79x128xi32, #tpu.memory_space<hbm>> -> memref<1x1x79x128xi32, #tpu.memory_space<hbm>>
      %dma_wait3A_26 = tpu.memref_squeeze %dma_wait3A_25 : memref<1x1x79x128xi32, #tpu.memory_space<hbm>> -> memref<79x128xi32, #tpu.memory_space<hbm>>
      tpu.wait_dma2 semaphore(%run_scoped3A : memref<!tpu.dma_semaphore, #tpu.memory_space<semaphore_mem>>) src(%dma_wait3A_26 : memref<79x128xi32, #tpu.memory_space<hbm>>) dst(%arg4 : memref<79x128xi32, #tpu.memory_space<vmem>>)
      tpu.yield
    }) : () -> ()
    %barrier3A = arith.constant 0 : index
    tpu.barrier barrier_id(%barrier3A)
    %scan3A_6 = arith.constant 0 : i32
    %scan3A_7 = arith.constant 0 : i32
    %scan3A_8 = arith.constant 79 : i32
    %scan3A_9 = arith.addi %scan3A_7, %scan3A_8 : i32
    %scan3A_10 = arith.constant 1 : i32
    scf.for %scan3A_13 = %scan3A_7 to %scan3A_9 step %scan3A_10  : i32 {
      "tpu.region"() ({
        %run_scoped3A = tpu.sem_alloc : memref<!tpu.dma_semaphore, #tpu.memory_space<semaphore_mem>>
        %dma_start3A = arith.constant 0 : i32
        %dma_start3A_14 = tpu.memref_slice %arg5[%dma_start3A] : memref<640xf32, #tpu.memory_space<vmem>> -> memref<128xf32, #tpu.memory_space<vmem>>
        %dma_start3A_15 = arith.constant 0 : i32
        %dma_start3A_16 = tpu.memref_slice %arg4[%scan3A_13, %dma_start3A_15] : memref<79x128xi32, #tpu.memory_space<vmem>> -> memref<1x128xi32, #tpu.memory_space<vmem>>
        %dma_start3A_17 = tpu.memref_squeeze %dma_start3A_16 : memref<1x128xi32, #tpu.memory_space<vmem>> -> memref<128xi32, #tpu.memory_space<vmem>>
        %dma_start3A_18 = arith.constant 0 : i32
        %dma_start3A_19 = tpu.memref_slice %arg6[%dma_start3A_18] : memref<10240xf32, #tpu.memory_space<vmem_shared>> -> memref<10240xf32, #tpu.memory_space<vmem_shared>>
        tpu.enqueue_indirect_dma source(%dma_start3A_14 : memref<128xf32, #tpu.memory_space<vmem>>) target(%dma_start3A_19 : memref<10240xf32, #tpu.memory_space<vmem_shared>>) offsets(%dma_start3A_17 : memref<128xi32, #tpu.memory_space<vmem>>) semaphore(%run_scoped3A : memref<!tpu.dma_semaphore, #tpu.memory_space<semaphore_mem>>) {add = true}
        %dma_wait3A = arith.constant 0 : i32
        %dma_wait3A_20 = tpu.memref_slice %arg5[%dma_wait3A] : memref<640xf32, #tpu.memory_space<vmem>> -> memref<128xf32, #tpu.memory_space<vmem>>
        %dma_wait3A_21 = arith.constant 0 : i32
        %dma_wait3A_22 = tpu.memref_slice %arg4[%scan3A_13, %dma_wait3A_21] : memref<79x128xi32, #tpu.memory_space<vmem>> -> memref<1x128xi32, #tpu.memory_space<vmem>>
        %dma_wait3A_23 = tpu.memref_squeeze %dma_wait3A_22 : memref<1x128xi32, #tpu.memory_space<vmem>> -> memref<128xi32, #tpu.memory_space<vmem>>
        %dma_wait3A_24 = arith.constant 0 : i32
        %dma_wait3A_25 = tpu.memref_slice %arg6[%dma_wait3A_24] : memref<10240xf32, #tpu.memory_space<vmem_shared>> -> memref<10240xf32, #tpu.memory_space<vmem_shared>>
        tpu.wait_indirect_dma semaphore(%run_scoped3A : memref<!tpu.dma_semaphore, #tpu.memory_space<semaphore_mem>>) src(%dma_wait3A_20 : memref<128xf32, #tpu.memory_space<vmem>>) dst(%dma_wait3A_25 : memref<10240xf32, #tpu.memory_space<vmem_shared>>)
        tpu.yield
      }) : () -> ()
    }
    %scan3A_11 = arith.constant 79 : i32
    %barrier3A_12 = arith.constant 0 : index
    tpu.barrier barrier_id(%barrier3A_12)
    "tpu.region"() ({
      %run_scoped3A = tpu.sem_alloc : memref<!tpu.dma_semaphore, #tpu.memory_space<semaphore_mem>>
      %dma_start3A = tpu.memref_slice %arg3[%arg0, %mul3A_0] : memref<2x10240xf32, #tpu.memory_space<hbm>> -> memref<1x640xf32, #tpu.memory_space<hbm>>
      %dma_start3A_13 = tpu.memref_squeeze %dma_start3A : memref<1x640xf32, #tpu.memory_space<hbm>> -> memref<640xf32, #tpu.memory_space<hbm>>
      %dma_start3A_14 = tpu.memref_slice %arg6[%mul3A_0] : memref<10240xf32, #tpu.memory_space<vmem_shared>> -> memref<640xf32, #tpu.memory_space<vmem_shared>>
      tpu.enqueue_dma source(%dma_start3A_14 : memref<640xf32, #tpu.memory_space<vmem_shared>>) target(%dma_start3A_13 : memref<640xf32, #tpu.memory_space<hbm>>) target_semaphore(%run_scoped3A : memref<!tpu.dma_semaphore, #tpu.memory_space<semaphore_mem>>)
      %dma_wait3A = tpu.memref_slice %arg3[%arg0, %mul3A_0] : memref<2x10240xf32, #tpu.memory_space<hbm>> -> memref<1x640xf32, #tpu.memory_space<hbm>>
      %dma_wait3A_15 = tpu.memref_squeeze %dma_wait3A : memref<1x640xf32, #tpu.memory_space<hbm>> -> memref<640xf32, #tpu.memory_space<hbm>>
      %dma_wait3A_16 = tpu.memref_slice %arg6[%mul3A_0] : memref<10240xf32, #tpu.memory_space<vmem_shared>> -> memref<640xf32, #tpu.memory_space<vmem_shared>>
      tpu.wait_dma2 semaphore(%run_scoped3A : memref<!tpu.dma_semaphore, #tpu.memory_space<semaphore_mem>>) src(%dma_wait3A_16 : memref<640xf32, #tpu.memory_space<vmem_shared>>) dst(%dma_wait3A_15 : memref<640xf32, #tpu.memory_space<hbm>>)
      tpu.yield
    }) : () -> ()
    return
  }
}

#map = affine_map<(d0, d1) -> (0, 0, 0)>
#map1 = affine_map<(d0, d1) -> (0, 0, 0, 0)>
module attributes {stable_mosaic.version = 14 : i64} {
  func.func @_mp_call(%arg0: i32, %arg1: i32, %arg2: memref<2x10240x64xf32, #tpu.memory_space<hbm>>, %arg3: memref<2x16x40x512xi32, #tpu.memory_space<hbm>>, %arg4: memref<2x10240x64xf32, #tpu.memory_space<hbm>>, %arg5: memref<40x512xi32, #tpu.memory_space<vmem>>, %arg6: memref<2x512xi32, #tpu.memory_space<vmem>>, %arg7: memref<512x64xf32, #tpu.memory_space<vmem>>, %arg8: memref<512x64xf32, #tpu.memory_space<vmem>>, %arg9: memref<10240x64xf32, #tpu.memory_space<vmem_shared>>, %arg10: memref<!tpu.dma_semaphore, #tpu.memory_space<semaphore_mem>>, %arg11: memref<!tpu.dma_semaphore, #tpu.memory_space<semaphore_mem>>, %arg12: memref<!tpu.dma_semaphore, #tpu.memory_space<semaphore_mem>>, %arg13: memref<!tpu.dma_semaphore, #tpu.memory_space<semaphore_mem>>) attributes {dimension_semantics = [#tpu.dimension_semantics<core_parallel>, #tpu.dimension_semantics<subcore_parallel>], iteration_bounds = array<i64: 2, 16>, scalar_prefetch = 0 : i64, scratch_operands = 9 : i64, tpu.core_type = #tpu.core_type<sc_vector_subcore>, window_params = [{transform_indices = #map}, {transform_indices = #map1}, {transform_indices = #map}]} {
    %mul3A = arith.constant 640 : i32
    %mul3A_0 = arith.muli %arg1, %mul3A : i32
    "tpu.region"() ({
      %run_scoped3A_79 = tpu.sem_alloc : memref<!tpu.dma_semaphore, #tpu.memory_space<semaphore_mem>>
      %dma_start3A_80 = arith.constant 0 : i32
      %dma_start3A_81 = tpu.memref_slice %arg9[%mul3A_0, %dma_start3A_80] : memref<10240x64xf32, #tpu.memory_space<vmem_shared>> -> memref<640x64xf32, #tpu.memory_space<vmem_shared>>
      %dma_start3A_82 = arith.constant 0 : i32
      %dma_start3A_83 = arith.constant 0 : i32
      %dma_start3A_84 = tpu.memref_slice %arg2[%arg0, %dma_start3A_82, %dma_start3A_83] : memref<2x10240x64xf32, #tpu.memory_space<hbm>> -> memref<1x10240x64xf32, #tpu.memory_space<hbm>>
      %dma_start3A_85 = tpu.memref_squeeze %dma_start3A_84 : memref<1x10240x64xf32, #tpu.memory_space<hbm>> -> memref<10240x64xf32, #tpu.memory_space<hbm>>
      %dma_start3A_86 = arith.constant 0 : i32
      %dma_start3A_87 = tpu.memref_slice %dma_start3A_85[%mul3A_0, %dma_start3A_86] : memref<10240x64xf32, #tpu.memory_space<hbm>> -> memref<640x64xf32, #tpu.memory_space<hbm>>
      tpu.enqueue_dma source(%dma_start3A_87 : memref<640x64xf32, #tpu.memory_space<hbm>>) target(%dma_start3A_81 : memref<640x64xf32, #tpu.memory_space<vmem_shared>>) target_semaphore(%run_scoped3A_79 : memref<!tpu.dma_semaphore, #tpu.memory_space<semaphore_mem>>)
      %dma_wait3A = arith.constant 0 : i32
      %dma_wait3A_88 = tpu.memref_slice %arg9[%mul3A_0, %dma_wait3A] : memref<10240x64xf32, #tpu.memory_space<vmem_shared>> -> memref<640x64xf32, #tpu.memory_space<vmem_shared>>
      %dma_wait3A_89 = arith.constant 0 : i32
      %dma_wait3A_90 = arith.constant 0 : i32
      %dma_wait3A_91 = tpu.memref_slice %arg2[%arg0, %dma_wait3A_89, %dma_wait3A_90] : memref<2x10240x64xf32, #tpu.memory_space<hbm>> -> memref<1x10240x64xf32, #tpu.memory_space<hbm>>
      %dma_wait3A_92 = tpu.memref_squeeze %dma_wait3A_91 : memref<1x10240x64xf32, #tpu.memory_space<hbm>> -> memref<10240x64xf32, #tpu.memory_space<hbm>>
      %dma_wait3A_93 = arith.constant 0 : i32
      %dma_wait3A_94 = tpu.memref_slice %dma_wait3A_92[%mul3A_0, %dma_wait3A_93] : memref<10240x64xf32, #tpu.memory_space<hbm>> -> memref<640x64xf32, #tpu.memory_space<hbm>>
      tpu.wait_dma2 semaphore(%run_scoped3A_79 : memref<!tpu.dma_semaphore, #tpu.memory_space<semaphore_mem>>) src(%dma_wait3A_94 : memref<640x64xf32, #tpu.memory_space<hbm>>) dst(%dma_wait3A_88 : memref<640x64xf32, #tpu.memory_space<vmem_shared>>)
      tpu.yield
    }) : () -> ()
    %run_scoped3A = arith.constant 0 : i32
    "tpu.region"() ({
      %run_scoped3A_79 = tpu.sem_alloc : memref<!tpu.dma_semaphore, #tpu.memory_space<semaphore_mem>>
      %dma_start3A_80 = arith.constant 0 : i32
      %dma_start3A_81 = arith.constant 0 : i32
      %dma_start3A_82 = arith.constant 0 : i32
      %dma_start3A_83 = tpu.memref_slice %arg3[%run_scoped3A, %dma_start3A_80, %dma_start3A_81, %dma_start3A_82] : memref<2x16x40x512xi32, #tpu.memory_space<hbm>> -> memref<1x16x40x512xi32, #tpu.memory_space<hbm>>
      %dma_start3A_84 = tpu.memref_squeeze %dma_start3A_83 : memref<1x16x40x512xi32, #tpu.memory_space<hbm>> -> memref<16x40x512xi32, #tpu.memory_space<hbm>>
      %dma_start3A_85 = arith.constant 0 : i32
      %dma_start3A_86 = arith.constant 0 : i32
      %dma_start3A_87 = tpu.memref_slice %dma_start3A_84[%arg1, %dma_start3A_85, %dma_start3A_86] : memref<16x40x512xi32, #tpu.memory_space<hbm>> -> memref<1x40x512xi32, #tpu.memory_space<hbm>>
      %dma_start3A_88 = tpu.memref_squeeze %dma_start3A_87 : memref<1x40x512xi32, #tpu.memory_space<hbm>> -> memref<40x512xi32, #tpu.memory_space<hbm>>
      %dma_start3A_89 = arith.constant 0 : i32
      %dma_start3A_90 = arith.constant 0 : i32
      %dma_start3A_91 = arith.constant 0 : i32
      %dma_start3A_92 = tpu.memref_slice %arg3[%run_scoped3A, %dma_start3A_89, %dma_start3A_90, %dma_start3A_91] : memref<2x16x40x512xi32, #tpu.memory_space<hbm>> -> memref<1x16x40x512xi32, #tpu.memory_space<hbm>>
      %dma_start3A_93 = tpu.memref_squeeze %dma_start3A_92 : memref<1x16x40x512xi32, #tpu.memory_space<hbm>> -> memref<16x40x512xi32, #tpu.memory_space<hbm>>
      %dma_start3A_94 = arith.constant 0 : i32
      %dma_start3A_95 = arith.constant 0 : i32
      %dma_start3A_96 = tpu.memref_slice %dma_start3A_93[%arg1, %dma_start3A_94, %dma_start3A_95] : memref<16x40x512xi32, #tpu.memory_space<hbm>> -> memref<1x40x512xi32, #tpu.memory_space<hbm>>
      %dma_start3A_97 = tpu.memref_squeeze %dma_start3A_96 : memref<1x40x512xi32, #tpu.memory_space<hbm>> -> memref<40x512xi32, #tpu.memory_space<hbm>>
      tpu.enqueue_dma source(%dma_start3A_97 : memref<40x512xi32, #tpu.memory_space<hbm>>) target(%arg5 : memref<40x512xi32, #tpu.memory_space<vmem>>) target_semaphore(%run_scoped3A_79 : memref<!tpu.dma_semaphore, #tpu.memory_space<semaphore_mem>>)
      %dma_wait3A = arith.constant 0 : i32
      %dma_wait3A_98 = arith.constant 0 : i32
      %dma_wait3A_99 = arith.constant 0 : i32
      %dma_wait3A_100 = tpu.memref_slice %arg3[%run_scoped3A, %dma_wait3A, %dma_wait3A_98, %dma_wait3A_99] : memref<2x16x40x512xi32, #tpu.memory_space<hbm>> -> memref<1x16x40x512xi32, #tpu.memory_space<hbm>>
      %dma_wait3A_101 = tpu.memref_squeeze %dma_wait3A_100 : memref<1x16x40x512xi32, #tpu.memory_space<hbm>> -> memref<16x40x512xi32, #tpu.memory_space<hbm>>
      %dma_wait3A_102 = arith.constant 0 : i32
      %dma_wait3A_103 = arith.constant 0 : i32
      %dma_wait3A_104 = tpu.memref_slice %dma_wait3A_101[%arg1, %dma_wait3A_102, %dma_wait3A_103] : memref<16x40x512xi32, #tpu.memory_space<hbm>> -> memref<1x40x512xi32, #tpu.memory_space<hbm>>
      %dma_wait3A_105 = tpu.memref_squeeze %dma_wait3A_104 : memref<1x40x512xi32, #tpu.memory_space<hbm>> -> memref<40x512xi32, #tpu.memory_space<hbm>>
      %dma_wait3A_106 = arith.constant 0 : i32
      %dma_wait3A_107 = arith.constant 0 : i32
      %dma_wait3A_108 = arith.constant 0 : i32
      %dma_wait3A_109 = tpu.memref_slice %arg3[%run_scoped3A, %dma_wait3A_106, %dma_wait3A_107, %dma_wait3A_108] : memref<2x16x40x512xi32, #tpu.memory_space<hbm>> -> memref<1x16x40x512xi32, #tpu.memory_space<hbm>>
      %dma_wait3A_110 = tpu.memref_squeeze %dma_wait3A_109 : memref<1x16x40x512xi32, #tpu.memory_space<hbm>> -> memref<16x40x512xi32, #tpu.memory_space<hbm>>
      %dma_wait3A_111 = arith.constant 0 : i32
      %dma_wait3A_112 = arith.constant 0 : i32
      %dma_wait3A_113 = tpu.memref_slice %dma_wait3A_110[%arg1, %dma_wait3A_111, %dma_wait3A_112] : memref<16x40x512xi32, #tpu.memory_space<hbm>> -> memref<1x40x512xi32, #tpu.memory_space<hbm>>
      %dma_wait3A_114 = tpu.memref_squeeze %dma_wait3A_113 : memref<1x40x512xi32, #tpu.memory_space<hbm>> -> memref<40x512xi32, #tpu.memory_space<hbm>>
      tpu.wait_dma2 semaphore(%run_scoped3A_79 : memref<!tpu.dma_semaphore, #tpu.memory_space<semaphore_mem>>) src(%dma_wait3A_114 : memref<40x512xi32, #tpu.memory_space<hbm>>) dst(%arg5 : memref<40x512xi32, #tpu.memory_space<vmem>>)
      tpu.yield
    }) : () -> ()
    %barrier3A = arith.constant 0 : index
    tpu.barrier barrier_id(%barrier3A)
    %dma_start3A = arith.constant 0 : i32
    %dma_start3A_1 = arith.constant 0 : i32
    %dma_start3A_2 = tpu.memref_slice %arg5[%dma_start3A, %dma_start3A_1] : memref<40x512xi32, #tpu.memory_space<vmem>> -> memref<1x512xi32, #tpu.memory_space<vmem>>
    %dma_start3A_3 = tpu.memref_squeeze %dma_start3A_2 : memref<1x512xi32, #tpu.memory_space<vmem>> -> memref<512xi32, #tpu.memory_space<vmem>>
    %dma_start3A_4 = arith.constant 0 : i32
    %dma_start3A_5 = arith.constant 0 : i32
    %dma_start3A_6 = tpu.memref_slice %arg2[%arg0, %dma_start3A_4, %dma_start3A_5] : memref<2x10240x64xf32, #tpu.memory_space<hbm>> -> memref<1x10240x64xf32, #tpu.memory_space<hbm>>
    %dma_start3A_7 = tpu.memref_squeeze %dma_start3A_6 : memref<1x10240x64xf32, #tpu.memory_space<hbm>> -> memref<10240x64xf32, #tpu.memory_space<hbm>>
    %dma_start3A_8 = arith.constant 0 : i32
    %dma_start3A_9 = arith.constant 0 : i32
    %dma_start3A_10 = tpu.memref_slice %dma_start3A_7[%dma_start3A_8, %dma_start3A_9] : memref<10240x64xf32, #tpu.memory_space<hbm>> -> memref<10240x64xf32, #tpu.memory_space<hbm>>
    tpu.enqueue_indirect_dma source(%dma_start3A_10 : memref<10240x64xf32, #tpu.memory_space<hbm>>) target(%arg7 : memref<512x64xf32, #tpu.memory_space<vmem>>) offsets(%dma_start3A_3 : memref<512xi32, #tpu.memory_space<vmem>>) semaphore(%arg10 : memref<!tpu.dma_semaphore, #tpu.memory_space<semaphore_mem>>)
    %dma_start3A_11 = arith.constant 1 : i32
    %dma_start3A_12 = arith.constant 0 : i32
    %dma_start3A_13 = arith.constant 0 : i32
    %dma_start3A_14 = arith.constant 0 : i32
    %dma_start3A_15 = tpu.memref_slice %arg6[%dma_start3A_13, %dma_start3A_14] : memref<2x512xi32, #tpu.memory_space<vmem>> -> memref<1x512xi32, #tpu.memory_space<vmem>>
    %dma_start3A_16 = tpu.memref_squeeze %dma_start3A_15 : memref<1x512xi32, #tpu.memory_space<vmem>> -> memref<512xi32, #tpu.memory_space<vmem>>
    %dma_start3A_17 = arith.constant 0 : i32
    %dma_start3A_18 = arith.constant 0 : i32
    %dma_start3A_19 = arith.constant 0 : i32
    %dma_start3A_20 = tpu.memref_slice %arg3[%dma_start3A_11, %dma_start3A_17, %dma_start3A_18, %dma_start3A_19] : memref<2x16x40x512xi32, #tpu.memory_space<hbm>> -> memref<1x16x40x512xi32, #tpu.memory_space<hbm>>
    %dma_start3A_21 = tpu.memref_squeeze %dma_start3A_20 : memref<1x16x40x512xi32, #tpu.memory_space<hbm>> -> memref<16x40x512xi32, #tpu.memory_space<hbm>>
    %dma_start3A_22 = arith.constant 0 : i32
    %dma_start3A_23 = tpu.memref_slice %dma_start3A_21[%arg1, %dma_start3A_12, %dma_start3A_22] : memref<16x40x512xi32, #tpu.memory_space<hbm>> -> memref<1x1x512xi32, #tpu.memory_space<hbm>>
    %dma_start3A_24 = tpu.memref_squeeze %dma_start3A_23 : memref<1x1x512xi32, #tpu.memory_space<hbm>> -> memref<512xi32, #tpu.memory_space<hbm>>
    %dma_start3A_25 = arith.constant 0 : i32
    %dma_start3A_26 = tpu.memref_slice %arg6[%dma_start3A_13, %dma_start3A_25] : memref<2x512xi32, #tpu.memory_space<vmem>> -> memref<1x512xi32, #tpu.memory_space<vmem>>
    %dma_start3A_27 = tpu.memref_squeeze %dma_start3A_26 : memref<1x512xi32, #tpu.memory_space<vmem>> -> memref<512xi32, #tpu.memory_space<vmem>>
    %dma_start3A_28 = arith.constant 0 : i32
    %dma_start3A_29 = arith.constant 0 : i32
    %dma_start3A_30 = arith.constant 0 : i32
    %dma_start3A_31 = tpu.memref_slice %arg3[%dma_start3A_11, %dma_start3A_28, %dma_start3A_29, %dma_start3A_30] : memref<2x16x40x512xi32, #tpu.memory_space<hbm>> -> memref<1x16x40x512xi32, #tpu.memory_space<hbm>>
    %dma_start3A_32 = tpu.memref_squeeze %dma_start3A_31 : memref<1x16x40x512xi32, #tpu.memory_space<hbm>> -> memref<16x40x512xi32, #tpu.memory_space<hbm>>
    %dma_start3A_33 = arith.constant 0 : i32
    %dma_start3A_34 = tpu.memref_slice %dma_start3A_32[%arg1, %dma_start3A_12, %dma_start3A_33] : memref<16x40x512xi32, #tpu.memory_space<hbm>> -> memref<1x1x512xi32, #tpu.memory_space<hbm>>
    %dma_start3A_35 = tpu.memref_squeeze %dma_start3A_34 : memref<1x1x512xi32, #tpu.memory_space<hbm>> -> memref<512xi32, #tpu.memory_space<hbm>>
    tpu.enqueue_dma source(%dma_start3A_35 : memref<512xi32, #tpu.memory_space<hbm>>) target(%dma_start3A_27 : memref<512xi32, #tpu.memory_space<vmem>>) target_semaphore(%arg12 : memref<!tpu.dma_semaphore, #tpu.memory_space<semaphore_mem>>)
    %dma_start3A_36 = arith.constant 1 : i32
    %dma_start3A_37 = arith.constant 0 : i32
    %dma_start3A_38 = tpu.memref_slice %arg5[%dma_start3A_36, %dma_start3A_37] : memref<40x512xi32, #tpu.memory_space<vmem>> -> memref<1x512xi32, #tpu.memory_space<vmem>>
    %dma_start3A_39 = tpu.memref_squeeze %dma_start3A_38 : memref<1x512xi32, #tpu.memory_space<vmem>> -> memref<512xi32, #tpu.memory_space<vmem>>
    %dma_start3A_40 = arith.constant 0 : i32
    %dma_start3A_41 = arith.constant 0 : i32
    %dma_start3A_42 = tpu.memref_slice %arg2[%arg0, %dma_start3A_40, %dma_start3A_41] : memref<2x10240x64xf32, #tpu.memory_space<hbm>> -> memref<1x10240x64xf32, #tpu.memory_space<hbm>>
    %dma_start3A_43 = tpu.memref_squeeze %dma_start3A_42 : memref<1x10240x64xf32, #tpu.memory_space<hbm>> -> memref<10240x64xf32, #tpu.memory_space<hbm>>
    %dma_start3A_44 = arith.constant 0 : i32
    %dma_start3A_45 = arith.constant 0 : i32
    %dma_start3A_46 = tpu.memref_slice %dma_start3A_43[%dma_start3A_44, %dma_start3A_45] : memref<10240x64xf32, #tpu.memory_space<hbm>> -> memref<10240x64xf32, #tpu.memory_space<hbm>>
    tpu.enqueue_indirect_dma source(%dma_start3A_46 : memref<10240x64xf32, #tpu.memory_space<hbm>>) target(%arg8 : memref<512x64xf32, #tpu.memory_space<vmem>>) offsets(%dma_start3A_39 : memref<512xi32, #tpu.memory_space<vmem>>) semaphore(%arg11 : memref<!tpu.dma_semaphore, #tpu.memory_space<semaphore_mem>>)
    %dma_start3A_47 = arith.constant 1 : i32
    %dma_start3A_48 = arith.constant 1 : i32
    %dma_start3A_49 = arith.constant 1 : i32
    %dma_start3A_50 = arith.constant 0 : i32
    %dma_start3A_51 = tpu.memref_slice %arg6[%dma_start3A_49, %dma_start3A_50] : memref<2x512xi32, #tpu.memory_space<vmem>> -> memref<1x512xi32, #tpu.memory_space<vmem>>
    %dma_start3A_52 = tpu.memref_squeeze %dma_start3A_51 : memref<1x512xi32, #tpu.memory_space<vmem>> -> memref<512xi32, #tpu.memory_space<vmem>>
    %dma_start3A_53 = arith.constant 0 : i32
    %dma_start3A_54 = arith.constant 0 : i32
    %dma_start3A_55 = arith.constant 0 : i32
    %dma_start3A_56 = tpu.memref_slice %arg3[%dma_start3A_47, %dma_start3A_53, %dma_start3A_54, %dma_start3A_55] : memref<2x16x40x512xi32, #tpu.memory_space<hbm>> -> memref<1x16x40x512xi32, #tpu.memory_space<hbm>>
    %dma_start3A_57 = tpu.memref_squeeze %dma_start3A_56 : memref<1x16x40x512xi32, #tpu.memory_space<hbm>> -> memref<16x40x512xi32, #tpu.memory_space<hbm>>
    %dma_start3A_58 = arith.constant 0 : i32
    %dma_start3A_59 = tpu.memref_slice %dma_start3A_57[%arg1, %dma_start3A_48, %dma_start3A_58] : memref<16x40x512xi32, #tpu.memory_space<hbm>> -> memref<1x1x512xi32, #tpu.memory_space<hbm>>
    %dma_start3A_60 = tpu.memref_squeeze %dma_start3A_59 : memref<1x1x512xi32, #tpu.memory_space<hbm>> -> memref<512xi32, #tpu.memory_space<hbm>>
    %dma_start3A_61 = arith.constant 0 : i32
    %dma_start3A_62 = tpu.memref_slice %arg6[%dma_start3A_49, %dma_start3A_61] : memref<2x512xi32, #tpu.memory_space<vmem>> -> memref<1x512xi32, #tpu.memory_space<vmem>>
    %dma_start3A_63 = tpu.memref_squeeze %dma_start3A_62 : memref<1x512xi32, #tpu.memory_space<vmem>> -> memref<512xi32, #tpu.memory_space<vmem>>
    %dma_start3A_64 = arith.constant 0 : i32
    %dma_start3A_65 = arith.constant 0 : i32
    %dma_start3A_66 = arith.constant 0 : i32
    %dma_start3A_67 = tpu.memref_slice %arg3[%dma_start3A_47, %dma_start3A_64, %dma_start3A_65, %dma_start3A_66] : memref<2x16x40x512xi32, #tpu.memory_space<hbm>> -> memref<1x16x40x512xi32, #tpu.memory_space<hbm>>
    %dma_start3A_68 = tpu.memref_squeeze %dma_start3A_67 : memref<1x16x40x512xi32, #tpu.memory_space<hbm>> -> memref<16x40x512xi32, #tpu.memory_space<hbm>>
    %dma_start3A_69 = arith.constant 0 : i32
    %dma_start3A_70 = tpu.memref_slice %dma_start3A_68[%arg1, %dma_start3A_48, %dma_start3A_69] : memref<16x40x512xi32, #tpu.memory_space<hbm>> -> memref<1x1x512xi32, #tpu.memory_space<hbm>>
    %dma_start3A_71 = tpu.memref_squeeze %dma_start3A_70 : memref<1x1x512xi32, #tpu.memory_space<hbm>> -> memref<512xi32, #tpu.memory_space<hbm>>
    tpu.enqueue_dma source(%dma_start3A_71 : memref<512xi32, #tpu.memory_space<hbm>>) target(%dma_start3A_63 : memref<512xi32, #tpu.memory_space<vmem>>) target_semaphore(%arg13 : memref<!tpu.dma_semaphore, #tpu.memory_space<semaphore_mem>>)
    %scan3A = arith.constant 0 : i32
    %scan3A_72 = arith.constant 1 : i32
    %scan3A_73 = arith.constant 0 : i32
    %scan3A_74 = arith.constant 20 : i32
    %scan3A_75 = arith.addi %scan3A_73, %scan3A_74 : i32
    %scan3A_76 = arith.constant 1 : i32
    scf.for %scan3A_79 = %scan3A_73 to %scan3A_75 step %scan3A_76  : i32 {
      %mul3A_80 = arith.constant 2 : i32
      %mul3A_81 = arith.muli %mul3A_80, %scan3A_79 : i32
      %dma_wait3A = arith.constant 0 : i32
      %dma_wait3A_82 = tpu.memref_slice %arg5[%mul3A_81, %dma_wait3A] : memref<40x512xi32, #tpu.memory_space<vmem>> -> memref<1x512xi32, #tpu.memory_space<vmem>>
      %dma_wait3A_83 = tpu.memref_squeeze %dma_wait3A_82 : memref<1x512xi32, #tpu.memory_space<vmem>> -> memref<512xi32, #tpu.memory_space<vmem>>
      %dma_wait3A_84 = arith.constant 0 : i32
      %dma_wait3A_85 = arith.constant 0 : i32
      %dma_wait3A_86 = tpu.memref_slice %arg2[%arg0, %dma_wait3A_84, %dma_wait3A_85] : memref<2x10240x64xf32, #tpu.memory_space<hbm>> -> memref<1x10240x64xf32, #tpu.memory_space<hbm>>
      %dma_wait3A_87 = tpu.memref_squeeze %dma_wait3A_86 : memref<1x10240x64xf32, #tpu.memory_space<hbm>> -> memref<10240x64xf32, #tpu.memory_space<hbm>>
      %dma_wait3A_88 = arith.constant 0 : i32
      %dma_wait3A_89 = arith.constant 0 : i32
      %dma_wait3A_90 = tpu.memref_slice %dma_wait3A_87[%dma_wait3A_88, %dma_wait3A_89] : memref<10240x64xf32, #tpu.memory_space<hbm>> -> memref<10240x64xf32, #tpu.memory_space<hbm>>
      tpu.wait_indirect_dma semaphore(%arg10 : memref<!tpu.dma_semaphore, #tpu.memory_space<semaphore_mem>>) src(%dma_wait3A_90 : memref<10240x64xf32, #tpu.memory_space<hbm>>) dst(%arg7 : memref<512x64xf32, #tpu.memory_space<vmem>>)
      %dma_wait3A_91 = arith.constant 0 : i32
      %dma_wait3A_92 = arith.constant 0 : i32
      %dma_wait3A_93 = tpu.memref_slice %arg6[%dma_wait3A_91, %dma_wait3A_92] : memref<2x512xi32, #tpu.memory_space<vmem>> -> memref<1x512xi32, #tpu.memory_space<vmem>>
      %dma_wait3A_94 = tpu.memref_squeeze %dma_wait3A_93 : memref<1x512xi32, #tpu.memory_space<vmem>> -> memref<512xi32, #tpu.memory_space<vmem>>
      %dma_wait3A_95 = arith.constant 0 : i32
      %dma_wait3A_96 = arith.constant 0 : i32
      %dma_wait3A_97 = arith.constant 0 : i32
      %dma_wait3A_98 = tpu.memref_slice %arg3[%scan3A_72, %dma_wait3A_95, %dma_wait3A_96, %dma_wait3A_97] : memref<2x16x40x512xi32, #tpu.memory_space<hbm>> -> memref<1x16x40x512xi32, #tpu.memory_space<hbm>>
      %dma_wait3A_99 = tpu.memref_squeeze %dma_wait3A_98 : memref<1x16x40x512xi32, #tpu.memory_space<hbm>> -> memref<16x40x512xi32, #tpu.memory_space<hbm>>
      %dma_wait3A_100 = arith.constant 0 : i32
      %dma_wait3A_101 = tpu.memref_slice %dma_wait3A_99[%arg1, %mul3A_81, %dma_wait3A_100] : memref<16x40x512xi32, #tpu.memory_space<hbm>> -> memref<1x1x512xi32, #tpu.memory_space<hbm>>
      %dma_wait3A_102 = tpu.memref_squeeze %dma_wait3A_101 : memref<1x1x512xi32, #tpu.memory_space<hbm>> -> memref<512xi32, #tpu.memory_space<hbm>>
      %dma_wait3A_103 = arith.constant 0 : i32
      %dma_wait3A_104 = tpu.memref_slice %arg6[%dma_wait3A_91, %dma_wait3A_103] : memref<2x512xi32, #tpu.memory_space<vmem>> -> memref<1x512xi32, #tpu.memory_space<vmem>>
      %dma_wait3A_105 = tpu.memref_squeeze %dma_wait3A_104 : memref<1x512xi32, #tpu.memory_space<vmem>> -> memref<512xi32, #tpu.memory_space<vmem>>
      %dma_wait3A_106 = arith.constant 0 : i32
      %dma_wait3A_107 = arith.constant 0 : i32
      %dma_wait3A_108 = arith.constant 0 : i32
      %dma_wait3A_109 = tpu.memref_slice %arg3[%scan3A_72, %dma_wait3A_106, %dma_wait3A_107, %dma_wait3A_108] : memref<2x16x40x512xi32, #tpu.memory_space<hbm>> -> memref<1x16x40x512xi32, #tpu.memory_space<hbm>>
      %dma_wait3A_110 = tpu.memref_squeeze %dma_wait3A_109 : memref<1x16x40x512xi32, #tpu.memory_space<hbm>> -> memref<16x40x512xi32, #tpu.memory_space<hbm>>
      %dma_wait3A_111 = arith.constant 0 : i32
      %dma_wait3A_112 = tpu.memref_slice %dma_wait3A_110[%arg1, %mul3A_81, %dma_wait3A_111] : memref<16x40x512xi32, #tpu.memory_space<hbm>> -> memref<1x1x512xi32, #tpu.memory_space<hbm>>
      %dma_wait3A_113 = tpu.memref_squeeze %dma_wait3A_112 : memref<1x1x512xi32, #tpu.memory_space<hbm>> -> memref<512xi32, #tpu.memory_space<hbm>>
      tpu.wait_dma2 semaphore(%arg12 : memref<!tpu.dma_semaphore, #tpu.memory_space<semaphore_mem>>) src(%dma_wait3A_113 : memref<512xi32, #tpu.memory_space<hbm>>) dst(%dma_wait3A_105 : memref<512xi32, #tpu.memory_space<vmem>>)
      %run_scoped3A_114 = arith.constant 0 : i32
      "tpu.region"() ({
        %run_scoped3A_132 = tpu.sem_alloc : memref<!tpu.dma_semaphore, #tpu.memory_space<semaphore_mem>>
        %dma_start3A_133 = arith.constant 0 : i32
        %dma_start3A_134 = tpu.memref_slice %arg6[%run_scoped3A_114, %dma_start3A_133] : memref<2x512xi32, #tpu.memory_space<vmem>> -> memref<1x512xi32, #tpu.memory_space<vmem>>
        %dma_start3A_135 = tpu.memref_squeeze %dma_start3A_134 : memref<1x512xi32, #tpu.memory_space<vmem>> -> memref<512xi32, #tpu.memory_space<vmem>>
        %dma_start3A_136 = arith.constant 0 : i32
        %dma_start3A_137 = arith.constant 0 : i32
        %dma_start3A_138 = tpu.memref_slice %arg9[%dma_start3A_136, %dma_start3A_137] : memref<10240x64xf32, #tpu.memory_space<vmem_shared>> -> memref<10240x64xf32, #tpu.memory_space<vmem_shared>>
        tpu.enqueue_indirect_dma source(%arg7 : memref<512x64xf32, #tpu.memory_space<vmem>>) target(%dma_start3A_138 : memref<10240x64xf32, #tpu.memory_space<vmem_shared>>) offsets(%dma_start3A_135 : memref<512xi32, #tpu.memory_space<vmem>>) semaphore(%run_scoped3A_132 : memref<!tpu.dma_semaphore, #tpu.memory_space<semaphore_mem>>) {add = true}
        %dma_wait3A_139 = arith.constant 0 : i32
        %dma_wait3A_140 = tpu.memref_slice %arg6[%run_scoped3A_114, %dma_wait3A_139] : memref<2x512xi32, #tpu.memory_space<vmem>> -> memref<1x512xi32, #tpu.memory_space<vmem>>
        %dma_wait3A_141 = tpu.memref_squeeze %dma_wait3A_140 : memref<1x512xi32, #tpu.memory_space<vmem>> -> memref<512xi32, #tpu.memory_space<vmem>>
        %dma_wait3A_142 = arith.constant 0 : i32
        %dma_wait3A_143 = arith.constant 0 : i32
        %dma_wait3A_144 = tpu.memref_slice %arg9[%dma_wait3A_142, %dma_wait3A_143] : memref<10240x64xf32, #tpu.memory_space<vmem_shared>> -> memref<10240x64xf32, #tpu.memory_space<vmem_shared>>
        tpu.wait_indirect_dma semaphore(%run_scoped3A_132 : memref<!tpu.dma_semaphore, #tpu.memory_space<semaphore_mem>>) src(%arg7 : memref<512x64xf32, #tpu.memory_space<vmem>>) dst(%dma_wait3A_144 : memref<10240x64xf32, #tpu.memory_space<vmem_shared>>)
        tpu.yield
      }) : () -> ()
      %add3A = arith.constant 2 : i32
      %add3A_115 = arith.addi %mul3A_81, %add3A : i32
      %lt3A = arith.constant 40 : i32
      %lt3A_116 = arith.cmpi slt, %add3A_115, %lt3A : i32
      %convert_element_type3A = arith.extui %lt3A_116 : i1 to i32
      %cond3A = arith.constant 0 : i32
      %cond3A_117 = arith.cmpi ne, %convert_element_type3A, %cond3A : i32
      scf.if %cond3A_117 {
        %add3A_132 = arith.constant 2 : i32
        %add3A_133 = arith.addi %mul3A_81, %add3A_132 : i32
        %dma_start3A_134 = arith.constant 0 : i32
        %dma_start3A_135 = tpu.memref_slice %arg5[%add3A_133, %dma_start3A_134] : memref<40x512xi32, #tpu.memory_space<vmem>> -> memref<1x512xi32, #tpu.memory_space<vmem>>
        %dma_start3A_136 = tpu.memref_squeeze %dma_start3A_135 : memref<1x512xi32, #tpu.memory_space<vmem>> -> memref<512xi32, #tpu.memory_space<vmem>>
        %dma_start3A_137 = arith.constant 0 : i32
        %dma_start3A_138 = arith.constant 0 : i32
        %dma_start3A_139 = tpu.memref_slice %arg2[%arg0, %dma_start3A_137, %dma_start3A_138] : memref<2x10240x64xf32, #tpu.memory_space<hbm>> -> memref<1x10240x64xf32, #tpu.memory_space<hbm>>
        %dma_start3A_140 = tpu.memref_squeeze %dma_start3A_139 : memref<1x10240x64xf32, #tpu.memory_space<hbm>> -> memref<10240x64xf32, #tpu.memory_space<hbm>>
        %dma_start3A_141 = arith.constant 0 : i32
        %dma_start3A_142 = arith.constant 0 : i32
        %dma_start3A_143 = tpu.memref_slice %dma_start3A_140[%dma_start3A_141, %dma_start3A_142] : memref<10240x64xf32, #tpu.memory_space<hbm>> -> memref<10240x64xf32, #tpu.memory_space<hbm>>
        tpu.enqueue_indirect_dma source(%dma_start3A_143 : memref<10240x64xf32, #tpu.memory_space<hbm>>) target(%arg7 : memref<512x64xf32, #tpu.memory_space<vmem>>) offsets(%dma_start3A_136 : memref<512xi32, #tpu.memory_space<vmem>>) semaphore(%arg10 : memref<!tpu.dma_semaphore, #tpu.memory_space<semaphore_mem>>)
        %add3A_144 = arith.constant 2 : i32
        %add3A_145 = arith.addi %mul3A_81, %add3A_144 : i32
        %dma_start3A_146 = arith.constant 0 : i32
        %dma_start3A_147 = arith.constant 0 : i32
        %dma_start3A_148 = tpu.memref_slice %arg6[%dma_start3A_146, %dma_start3A_147] : memref<2x512xi32, #tpu.memory_space<vmem>> -> memref<1x512xi32, #tpu.memory_space<vmem>>
        %dma_start3A_149 = tpu.memref_squeeze %dma_start3A_148 : memref<1x512xi32, #tpu.memory_space<vmem>> -> memref<512xi32, #tpu.memory_space<vmem>>
        %dma_start3A_150 = arith.constant 0 : i32
        %dma_start3A_151 = arith.constant 0 : i32
        %dma_start3A_152 = arith.constant 0 : i32
        %dma_start3A_153 = tpu.memref_slice %arg3[%scan3A_72, %dma_start3A_150, %dma_start3A_151, %dma_start3A_152] : memref<2x16x40x512xi32, #tpu.memory_space<hbm>> -> memref<1x16x40x512xi32, #tpu.memory_space<hbm>>
        %dma_start3A_154 = tpu.memref_squeeze %dma_start3A_153 : memref<1x16x40x512xi32, #tpu.memory_space<hbm>> -> memref<16x40x512xi32, #tpu.memory_space<hbm>>
        %dma_start3A_155 = arith.constant 0 : i32
        %dma_start3A_156 = tpu.memref_slice %dma_start3A_154[%arg1, %add3A_145, %dma_start3A_155] : memref<16x40x512xi32, #tpu.memory_space<hbm>> -> memref<1x1x512xi32, #tpu.memory_space<hbm>>
        %dma_start3A_157 = tpu.memref_squeeze %dma_start3A_156 : memref<1x1x512xi32, #tpu.memory_space<hbm>> -> memref<512xi32, #tpu.memory_space<hbm>>
        %dma_start3A_158 = arith.constant 0 : i32
        %dma_start3A_159 = tpu.memref_slice %arg6[%dma_start3A_146, %dma_start3A_158] : memref<2x512xi32, #tpu.memory_space<vmem>> -> memref<1x512xi32, #tpu.memory_space<vmem>>
        %dma_start3A_160 = tpu.memref_squeeze %dma_start3A_159 : memref<1x512xi32, #tpu.memory_space<vmem>> -> memref<512xi32, #tpu.memory_space<vmem>>
        %dma_start3A_161 = arith.constant 0 : i32
        %dma_start3A_162 = arith.constant 0 : i32
        %dma_start3A_163 = arith.constant 0 : i32
        %dma_start3A_164 = tpu.memref_slice %arg3[%scan3A_72, %dma_start3A_161, %dma_start3A_162, %dma_start3A_163] : memref<2x16x40x512xi32, #tpu.memory_space<hbm>> -> memref<1x16x40x512xi32, #tpu.memory_space<hbm>>
        %dma_start3A_165 = tpu.memref_squeeze %dma_start3A_164 : memref<1x16x40x512xi32, #tpu.memory_space<hbm>> -> memref<16x40x512xi32, #tpu.memory_space<hbm>>
        %dma_start3A_166 = arith.constant 0 : i32
        %dma_start3A_167 = tpu.memref_slice %dma_start3A_165[%arg1, %add3A_145, %dma_start3A_166] : memref<16x40x512xi32, #tpu.memory_space<hbm>> -> memref<1x1x512xi32, #tpu.memory_space<hbm>>
        %dma_start3A_168 = tpu.memref_squeeze %dma_start3A_167 : memref<1x1x512xi32, #tpu.memory_space<hbm>> -> memref<512xi32, #tpu.memory_space<hbm>>
        tpu.enqueue_dma source(%dma_start3A_168 : memref<512xi32, #tpu.memory_space<hbm>>) target(%dma_start3A_160 : memref<512xi32, #tpu.memory_space<vmem>>) target_semaphore(%arg12 : memref<!tpu.dma_semaphore, #tpu.memory_space<semaphore_mem>>)
      } else {
      }
      %add3A_118 = arith.constant 1 : i32
      %add3A_119 = arith.addi %mul3A_81, %add3A_118 : i32
      %lt3A_120 = arith.constant 40 : i32
      %lt3A_121 = arith.cmpi slt, %add3A_119, %lt3A_120 : i32
      %convert_element_type3A_122 = arith.extui %lt3A_121 : i1 to i32
      %cond3A_123 = arith.constant 0 : i32
      %cond3A_124 = arith.cmpi ne, %convert_element_type3A_122, %cond3A_123 : i32
      scf.if %cond3A_124 {
        %add3A_132 = arith.constant 1 : i32
        %add3A_133 = arith.addi %mul3A_81, %add3A_132 : i32
        %dma_wait3A_134 = arith.constant 0 : i32
        %dma_wait3A_135 = tpu.memref_slice %arg5[%add3A_133, %dma_wait3A_134] : memref<40x512xi32, #tpu.memory_space<vmem>> -> memref<1x512xi32, #tpu.memory_space<vmem>>
        %dma_wait3A_136 = tpu.memref_squeeze %dma_wait3A_135 : memref<1x512xi32, #tpu.memory_space<vmem>> -> memref<512xi32, #tpu.memory_space<vmem>>
        %dma_wait3A_137 = arith.constant 0 : i32
        %dma_wait3A_138 = arith.constant 0 : i32
        %dma_wait3A_139 = tpu.memref_slice %arg2[%arg0, %dma_wait3A_137, %dma_wait3A_138] : memref<2x10240x64xf32, #tpu.memory_space<hbm>> -> memref<1x10240x64xf32, #tpu.memory_space<hbm>>
        %dma_wait3A_140 = tpu.memref_squeeze %dma_wait3A_139 : memref<1x10240x64xf32, #tpu.memory_space<hbm>> -> memref<10240x64xf32, #tpu.memory_space<hbm>>
        %dma_wait3A_141 = arith.constant 0 : i32
        %dma_wait3A_142 = arith.constant 0 : i32
        %dma_wait3A_143 = tpu.memref_slice %dma_wait3A_140[%dma_wait3A_141, %dma_wait3A_142] : memref<10240x64xf32, #tpu.memory_space<hbm>> -> memref<10240x64xf32, #tpu.memory_space<hbm>>
        tpu.wait_indirect_dma semaphore(%arg11 : memref<!tpu.dma_semaphore, #tpu.memory_space<semaphore_mem>>) src(%dma_wait3A_143 : memref<10240x64xf32, #tpu.memory_space<hbm>>) dst(%arg8 : memref<512x64xf32, #tpu.memory_space<vmem>>)
        %add3A_144 = arith.constant 1 : i32
        %add3A_145 = arith.addi %mul3A_81, %add3A_144 : i32
        %dma_wait3A_146 = arith.constant 1 : i32
        %dma_wait3A_147 = arith.constant 0 : i32
        %dma_wait3A_148 = tpu.memref_slice %arg6[%dma_wait3A_146, %dma_wait3A_147] : memref<2x512xi32, #tpu.memory_space<vmem>> -> memref<1x512xi32, #tpu.memory_space<vmem>>
        %dma_wait3A_149 = tpu.memref_squeeze %dma_wait3A_148 : memref<1x512xi32, #tpu.memory_space<vmem>> -> memref<512xi32, #tpu.memory_space<vmem>>
        %dma_wait3A_150 = arith.constant 0 : i32
        %dma_wait3A_151 = arith.constant 0 : i32
        %dma_wait3A_152 = arith.constant 0 : i32
        %dma_wait3A_153 = tpu.memref_slice %arg3[%scan3A_72, %dma_wait3A_150, %dma_wait3A_151, %dma_wait3A_152] : memref<2x16x40x512xi32, #tpu.memory_space<hbm>> -> memref<1x16x40x512xi32, #tpu.memory_space<hbm>>
        %dma_wait3A_154 = tpu.memref_squeeze %dma_wait3A_153 : memref<1x16x40x512xi32, #tpu.memory_space<hbm>> -> memref<16x40x512xi32, #tpu.memory_space<hbm>>
        %dma_wait3A_155 = arith.constant 0 : i32
        %dma_wait3A_156 = tpu.memref_slice %dma_wait3A_154[%arg1, %add3A_145, %dma_wait3A_155] : memref<16x40x512xi32, #tpu.memory_space<hbm>> -> memref<1x1x512xi32, #tpu.memory_space<hbm>>
        %dma_wait3A_157 = tpu.memref_squeeze %dma_wait3A_156 : memref<1x1x512xi32, #tpu.memory_space<hbm>> -> memref<512xi32, #tpu.memory_space<hbm>>
        %dma_wait3A_158 = arith.constant 0 : i32
        %dma_wait3A_159 = tpu.memref_slice %arg6[%dma_wait3A_146, %dma_wait3A_158] : memref<2x512xi32, #tpu.memory_space<vmem>> -> memref<1x512xi32, #tpu.memory_space<vmem>>
        %dma_wait3A_160 = tpu.memref_squeeze %dma_wait3A_159 : memref<1x512xi32, #tpu.memory_space<vmem>> -> memref<512xi32, #tpu.memory_space<vmem>>
        %dma_wait3A_161 = arith.constant 0 : i32
        %dma_wait3A_162 = arith.constant 0 : i32
        %dma_wait3A_163 = arith.constant 0 : i32
        %dma_wait3A_164 = tpu.memref_slice %arg3[%scan3A_72, %dma_wait3A_161, %dma_wait3A_162, %dma_wait3A_163] : memref<2x16x40x512xi32, #tpu.memory_space<hbm>> -> memref<1x16x40x512xi32, #tpu.memory_space<hbm>>
        %dma_wait3A_165 = tpu.memref_squeeze %dma_wait3A_164 : memref<1x16x40x512xi32, #tpu.memory_space<hbm>> -> memref<16x40x512xi32, #tpu.memory_space<hbm>>
        %dma_wait3A_166 = arith.constant 0 : i32
        %dma_wait3A_167 = tpu.memref_slice %dma_wait3A_165[%arg1, %add3A_145, %dma_wait3A_166] : memref<16x40x512xi32, #tpu.memory_space<hbm>> -> memref<1x1x512xi32, #tpu.memory_space<hbm>>
        %dma_wait3A_168 = tpu.memref_squeeze %dma_wait3A_167 : memref<1x1x512xi32, #tpu.memory_space<hbm>> -> memref<512xi32, #tpu.memory_space<hbm>>
        tpu.wait_dma2 semaphore(%arg13 : memref<!tpu.dma_semaphore, #tpu.memory_space<semaphore_mem>>) src(%dma_wait3A_168 : memref<512xi32, #tpu.memory_space<hbm>>) dst(%dma_wait3A_160 : memref<512xi32, #tpu.memory_space<vmem>>)
        %run_scoped3A_169 = arith.constant 1 : i32
        "tpu.region"() ({
          %run_scoped3A_170 = tpu.sem_alloc : memref<!tpu.dma_semaphore, #tpu.memory_space<semaphore_mem>>
          %dma_start3A_171 = arith.constant 0 : i32
          %dma_start3A_172 = tpu.memref_slice %arg6[%run_scoped3A_169, %dma_start3A_171] : memref<2x512xi32, #tpu.memory_space<vmem>> -> memref<1x512xi32, #tpu.memory_space<vmem>>
          %dma_start3A_173 = tpu.memref_squeeze %dma_start3A_172 : memref<1x512xi32, #tpu.memory_space<vmem>> -> memref<512xi32, #tpu.memory_space<vmem>>
          %dma_start3A_174 = arith.constant 0 : i32
          %dma_start3A_175 = arith.constant 0 : i32
          %dma_start3A_176 = tpu.memref_slice %arg9[%dma_start3A_174, %dma_start3A_175] : memref<10240x64xf32, #tpu.memory_space<vmem_shared>> -> memref<10240x64xf32, #tpu.memory_space<vmem_shared>>
          tpu.enqueue_indirect_dma source(%arg8 : memref<512x64xf32, #tpu.memory_space<vmem>>) target(%dma_start3A_176 : memref<10240x64xf32, #tpu.memory_space<vmem_shared>>) offsets(%dma_start3A_173 : memref<512xi32, #tpu.memory_space<vmem>>) semaphore(%run_scoped3A_170 : memref<!tpu.dma_semaphore, #tpu.memory_space<semaphore_mem>>) {add = true}
          %dma_wait3A_177 = arith.constant 0 : i32
          %dma_wait3A_178 = tpu.memref_slice %arg6[%run_scoped3A_169, %dma_wait3A_177] : memref<2x512xi32, #tpu.memory_space<vmem>> -> memref<1x512xi32, #tpu.memory_space<vmem>>
          %dma_wait3A_179 = tpu.memref_squeeze %dma_wait3A_178 : memref<1x512xi32, #tpu.memory_space<vmem>> -> memref<512xi32, #tpu.memory_space<vmem>>
          %dma_wait3A_180 = arith.constant 0 : i32
          %dma_wait3A_181 = arith.constant 0 : i32
          %dma_wait3A_182 = tpu.memref_slice %arg9[%dma_wait3A_180, %dma_wait3A_181] : memref<10240x64xf32, #tpu.memory_space<vmem_shared>> -> memref<10240x64xf32, #tpu.memory_space<vmem_shared>>
          tpu.wait_indirect_dma semaphore(%run_scoped3A_170 : memref<!tpu.dma_semaphore, #tpu.memory_space<semaphore_mem>>) src(%arg8 : memref<512x64xf32, #tpu.memory_space<vmem>>) dst(%dma_wait3A_182 : memref<10240x64xf32, #tpu.memory_space<vmem_shared>>)
          tpu.yield
        }) : () -> ()
      } else {
      }
      %add3A_125 = arith.constant 3 : i32
      %add3A_126 = arith.addi %mul3A_81, %add3A_125 : i32
      %lt3A_127 = arith.constant 40 : i32
      %lt3A_128 = arith.cmpi slt, %add3A_126, %lt3A_127 : i32
      %convert_element_type3A_129 = arith.extui %lt3A_128 : i1 to i32
      %cond3A_130 = arith.constant 0 : i32
      %cond3A_131 = arith.cmpi ne, %convert_element_type3A_129, %cond3A_130 : i32
      scf.if %cond3A_131 {
        %add3A_132 = arith.constant 3 : i32
        %add3A_133 = arith.addi %mul3A_81, %add3A_132 : i32
        %dma_start3A_134 = arith.constant 0 : i32
        %dma_start3A_135 = tpu.memref_slice %arg5[%add3A_133, %dma_start3A_134] : memref<40x512xi32, #tpu.memory_space<vmem>> -> memref<1x512xi32, #tpu.memory_space<vmem>>
        %dma_start3A_136 = tpu.memref_squeeze %dma_start3A_135 : memref<1x512xi32, #tpu.memory_space<vmem>> -> memref<512xi32, #tpu.memory_space<vmem>>
        %dma_start3A_137 = arith.constant 0 : i32
        %dma_start3A_138 = arith.constant 0 : i32
        %dma_start3A_139 = tpu.memref_slice %arg2[%arg0, %dma_start3A_137, %dma_start3A_138] : memref<2x10240x64xf32, #tpu.memory_space<hbm>> -> memref<1x10240x64xf32, #tpu.memory_space<hbm>>
        %dma_start3A_140 = tpu.memref_squeeze %dma_start3A_139 : memref<1x10240x64xf32, #tpu.memory_space<hbm>> -> memref<10240x64xf32, #tpu.memory_space<hbm>>
        %dma_start3A_141 = arith.constant 0 : i32
        %dma_start3A_142 = arith.constant 0 : i32
        %dma_start3A_143 = tpu.memref_slice %dma_start3A_140[%dma_start3A_141, %dma_start3A_142] : memref<10240x64xf32, #tpu.memory_space<hbm>> -> memref<10240x64xf32, #tpu.memory_space<hbm>>
        tpu.enqueue_indirect_dma source(%dma_start3A_143 : memref<10240x64xf32, #tpu.memory_space<hbm>>) target(%arg8 : memref<512x64xf32, #tpu.memory_space<vmem>>) offsets(%dma_start3A_136 : memref<512xi32, #tpu.memory_space<vmem>>) semaphore(%arg11 : memref<!tpu.dma_semaphore, #tpu.memory_space<semaphore_mem>>)
        %add3A_144 = arith.constant 3 : i32
        %add3A_145 = arith.addi %mul3A_81, %add3A_144 : i32
        %dma_start3A_146 = arith.constant 1 : i32
        %dma_start3A_147 = arith.constant 0 : i32
        %dma_start3A_148 = tpu.memref_slice %arg6[%dma_start3A_146, %dma_start3A_147] : memref<2x512xi32, #tpu.memory_space<vmem>> -> memref<1x512xi32, #tpu.memory_space<vmem>>
        %dma_start3A_149 = tpu.memref_squeeze %dma_start3A_148 : memref<1x512xi32, #tpu.memory_space<vmem>> -> memref<512xi32, #tpu.memory_space<vmem>>
        %dma_start3A_150 = arith.constant 0 : i32
        %dma_start3A_151 = arith.constant 0 : i32
        %dma_start3A_152 = arith.constant 0 : i32
        %dma_start3A_153 = tpu.memref_slice %arg3[%scan3A_72, %dma_start3A_150, %dma_start3A_151, %dma_start3A_152] : memref<2x16x40x512xi32, #tpu.memory_space<hbm>> -> memref<1x16x40x512xi32, #tpu.memory_space<hbm>>
        %dma_start3A_154 = tpu.memref_squeeze %dma_start3A_153 : memref<1x16x40x512xi32, #tpu.memory_space<hbm>> -> memref<16x40x512xi32, #tpu.memory_space<hbm>>
        %dma_start3A_155 = arith.constant 0 : i32
        %dma_start3A_156 = tpu.memref_slice %dma_start3A_154[%arg1, %add3A_145, %dma_start3A_155] : memref<16x40x512xi32, #tpu.memory_space<hbm>> -> memref<1x1x512xi32, #tpu.memory_space<hbm>>
        %dma_start3A_157 = tpu.memref_squeeze %dma_start3A_156 : memref<1x1x512xi32, #tpu.memory_space<hbm>> -> memref<512xi32, #tpu.memory_space<hbm>>
        %dma_start3A_158 = arith.constant 0 : i32
        %dma_start3A_159 = tpu.memref_slice %arg6[%dma_start3A_146, %dma_start3A_158] : memref<2x512xi32, #tpu.memory_space<vmem>> -> memref<1x512xi32, #tpu.memory_space<vmem>>
        %dma_start3A_160 = tpu.memref_squeeze %dma_start3A_159 : memref<1x512xi32, #tpu.memory_space<vmem>> -> memref<512xi32, #tpu.memory_space<vmem>>
        %dma_start3A_161 = arith.constant 0 : i32
        %dma_start3A_162 = arith.constant 0 : i32
        %dma_start3A_163 = arith.constant 0 : i32
        %dma_start3A_164 = tpu.memref_slice %arg3[%scan3A_72, %dma_start3A_161, %dma_start3A_162, %dma_start3A_163] : memref<2x16x40x512xi32, #tpu.memory_space<hbm>> -> memref<1x16x40x512xi32, #tpu.memory_space<hbm>>
        %dma_start3A_165 = tpu.memref_squeeze %dma_start3A_164 : memref<1x16x40x512xi32, #tpu.memory_space<hbm>> -> memref<16x40x512xi32, #tpu.memory_space<hbm>>
        %dma_start3A_166 = arith.constant 0 : i32
        %dma_start3A_167 = tpu.memref_slice %dma_start3A_165[%arg1, %add3A_145, %dma_start3A_166] : memref<16x40x512xi32, #tpu.memory_space<hbm>> -> memref<1x1x512xi32, #tpu.memory_space<hbm>>
        %dma_start3A_168 = tpu.memref_squeeze %dma_start3A_167 : memref<1x1x512xi32, #tpu.memory_space<hbm>> -> memref<512xi32, #tpu.memory_space<hbm>>
        tpu.enqueue_dma source(%dma_start3A_168 : memref<512xi32, #tpu.memory_space<hbm>>) target(%dma_start3A_160 : memref<512xi32, #tpu.memory_space<vmem>>) target_semaphore(%arg13 : memref<!tpu.dma_semaphore, #tpu.memory_space<semaphore_mem>>)
      } else {
      }
    }
    %scan3A_77 = arith.constant 20 : i32
    %barrier3A_78 = arith.constant 0 : index
    tpu.barrier barrier_id(%barrier3A_78)
    "tpu.region"() ({
      %run_scoped3A_79 = tpu.sem_alloc : memref<!tpu.dma_semaphore, #tpu.memory_space<semaphore_mem>>
      %dma_start3A_80 = arith.constant 0 : i32
      %dma_start3A_81 = tpu.memref_slice %arg4[%arg0, %mul3A_0, %dma_start3A_80] : memref<2x10240x64xf32, #tpu.memory_space<hbm>> -> memref<1x640x64xf32, #tpu.memory_space<hbm>>
      %dma_start3A_82 = tpu.memref_squeeze %dma_start3A_81 : memref<1x640x64xf32, #tpu.memory_space<hbm>> -> memref<640x64xf32, #tpu.memory_space<hbm>>
      %dma_start3A_83 = arith.constant 0 : i32
      %dma_start3A_84 = tpu.memref_slice %arg9[%mul3A_0, %dma_start3A_83] : memref<10240x64xf32, #tpu.memory_space<vmem_shared>> -> memref<640x64xf32, #tpu.memory_space<vmem_shared>>
      tpu.enqueue_dma source(%dma_start3A_84 : memref<640x64xf32, #tpu.memory_space<vmem_shared>>) target(%dma_start3A_82 : memref<640x64xf32, #tpu.memory_space<hbm>>) target_semaphore(%run_scoped3A_79 : memref<!tpu.dma_semaphore, #tpu.memory_space<semaphore_mem>>)
      %dma_wait3A = arith.constant 0 : i32
      %dma_wait3A_85 = tpu.memref_slice %arg4[%arg0, %mul3A_0, %dma_wait3A] : memref<2x10240x64xf32, #tpu.memory_space<hbm>> -> memref<1x640x64xf32, #tpu.memory_space<hbm>>
      %dma_wait3A_86 = tpu.memref_squeeze %dma_wait3A_85 : memref<1x640x64xf32, #tpu.memory_space<hbm>> -> memref<640x64xf32, #tpu.memory_space<hbm>>
      %dma_wait3A_87 = arith.constant 0 : i32
      %dma_wait3A_88 = tpu.memref_slice %arg9[%mul3A_0, %dma_wait3A_87] : memref<10240x64xf32, #tpu.memory_space<vmem_shared>> -> memref<640x64xf32, #tpu.memory_space<vmem_shared>>
      tpu.wait_dma2 semaphore(%run_scoped3A_79 : memref<!tpu.dma_semaphore, #tpu.memory_space<semaphore_mem>>) src(%dma_wait3A_88 : memref<640x64xf32, #tpu.memory_space<vmem_shared>>) dst(%dma_wait3A_86 : memref<640x64xf32, #tpu.memory_space<hbm>>)
      tpu.yield
    }) : () -> ()
    return
  }
}

module attributes {stable_mosaic.version = 14 : i64} {
  func.func @_dense1_body(%arg0: i32, %arg1: memref<1280x128xf32, #tpu.memory_space<vmem>>, %arg2: memref<128x128xf32, #tpu.memory_space<vmem>>, %arg3: memref<1280x1xf32, #tpu.memory_space<vmem>>, %arg4: memref<1280x1xf32, #tpu.memory_space<vmem>>, %arg5: memref<2x1280x64xf32, #tpu.memory_space<vmem>>, %arg6: memref<1280x1xf32, #tpu.memory_space<vmem>>) attributes {dimension_semantics = [#tpu.dimension_semantics<arbitrary>], iteration_bounds = array<i64: 8>, scalar_prefetch = 0 : i64, scratch_operands = 0 : i64, tpu.core_type = #tpu.core_type<tc>, window_params = [{transform_indices = @transform_0, window_bounds = array<i64: 1280, 128>}, {pipeline_mode = #tpu.pipeline_mode<synchronous>, transform_indices = @transform_1, window_bounds = array<i64: 128, 128>}, {transform_indices = @transform_2, window_bounds = array<i64: 1280, 1>}, {transform_indices = @transform_3, window_bounds = array<i64: 1280, 1>}, {transform_indices = @transform_4, window_bounds = array<i64: 2, 1280, 64>}, {transform_indices = @transform_5, window_bounds = array<i64: 1280, 1>}]} {
    %get3A = arith.constant 0 : index
    %get3A_0 = arith.constant 0 : index
    %get3A_1 = vector.load %arg3[%get3A, %get3A_0] : memref<1280x1xf32, #tpu.memory_space<vmem>>, vector<1280x1xf32>
    %get3A_2 = arith.constant 0 : index
    %get3A_3 = arith.constant 0 : index
    %get3A_4 = vector.load %arg4[%get3A_2, %get3A_3] : memref<1280x1xf32, #tpu.memory_space<vmem>>, vector<1280x1xf32>
    %add3A = arith.addf %get3A_1, %get3A_4 : vector<1280x1xf32>
    %sub3A = arith.constant 1.000000e+00 : f32
    %sub3A_5 = vector.broadcast %sub3A : f32 to vector<1280x1xf32>
    %sub3A_6 = arith.subf %add3A, %sub3A_5 : vector<1280x1xf32>
    %mul3A = arith.constant 1280 : i32
    %mul3A_7 = arith.muli %arg0, %mul3A : i32
    %iota3A = tpu.iota {dimensions = array<i32: 0>} : vector<1280x1xi32>
    %add3A_8 = vector.broadcast %mul3A_7 : i32 to vector<1280x1xi32>
    %add3A_9 = arith.addi %add3A_8, %iota3A : vector<1280x1xi32>
    %lt3A = arith.constant 10000 : i32
    %lt3A_10 = vector.broadcast %lt3A : i32 to vector<1280x1xi32>
    %lt3A_11 = arith.cmpi slt, %add3A_9, %lt3A_10 : vector<1280x1xi32>
    %rsqrt3A = math.rsqrt %sub3A_6 : vector<1280x1xf32>
    %jit3A = arith.constant 0.000000e+00 : f32
    %broadcast_in_dim3A = vector.broadcast %jit3A : f32 to vector<1280x1xf32>
    %select_n3A = arith.select %lt3A_11, %rsqrt3A, %broadcast_in_dim3A : vector<1280x1xi1>, vector<1280x1xf32>
    %swap3A = arith.constant 0 : index
    %swap3A_12 = arith.constant 0 : index
    %swap3A_13 = vector.load %arg6[%swap3A, %swap3A_12] : memref<1280x1xf32, #tpu.memory_space<vmem>>, vector<1280x1xf32>
    tpu.vector_store %arg6[%swap3A, %swap3A_12], %select_n3A {strides = array<i32>} : memref<1280x1xf32, #tpu.memory_space<vmem>>, vector<1280x1xf32>,
    %get3A_14 = arith.constant 0 : index
    %get3A_15 = arith.constant 0 : index
    %get3A_16 = vector.load %arg1[%get3A_14, %get3A_15] : memref<1280x128xf32, #tpu.memory_space<vmem>>, vector<1280x128xf32>
    %get3A_17 = arith.constant 0 : index
    %get3A_18 = arith.constant 0 : index
    %get3A_19 = vector.load %arg2[%get3A_17, %get3A_18] : memref<128x128xf32, #tpu.memory_space<vmem>>, vector<128x128xf32>
    %dot_general3A = arith.constant dense<0.000000e+00> : vector<1280x128xf32>
    %dot_general3A_20 = tpu.matmul %get3A_16, %get3A_19, %dot_general3A {dimension_numbers = #tpu.dot_dimension_numbers<[1], [0], [0], [1], [0, 0, 1, 1], [], []>, transpose_lhs_hint = false} : vector<1280x128xf32>, vector<128x128xf32>, vector<1280x128xf32> -> vector<1280x128xf32>
    %mul3A_21 = vector.broadcast %select_n3A : vector<1280x1xf32> to vector<1280x128xf32>
    %mul3A_22 = arith.mulf %mul3A_21, %dot_general3A_20 : vector<1280x128xf32>
    %slice3A = vector.extract_strided_slice %mul3A_22 {offsets = [0, 0], sizes = [1280, 64], strides = [1, 1]} : vector<1280x128xf32> to vector<1280x64xf32>
    %swap3A_23 = arith.constant 0 : index
    %swap3A_24 = arith.constant 0 : index
    %swap3A_25 = arith.constant 0 : index
    %swap3A_26 = vector.load %arg5[%swap3A_23, %swap3A_24, %swap3A_25] : memref<2x1280x64xf32, #tpu.memory_space<vmem>>, vector<1x1280x64xf32>
    %swap3A_27 = vector.shape_cast %swap3A_26 : vector<1x1280x64xf32> to vector<1280x64xf32>
    %swap3A_28 = vector.shape_cast %slice3A : vector<1280x64xf32> to vector<1x1280x64xf32>
    tpu.vector_store %arg5[%swap3A_23, %swap3A_24, %swap3A_25], %swap3A_28 {strides = array<i32>} : memref<2x1280x64xf32, #tpu.memory_space<vmem>>, vector<1x1280x64xf32>,
    %slice3A_29 = vector.extract_strided_slice %mul3A_22 {offsets = [0, 64], sizes = [1280, 64], strides = [1, 1]} : vector<1280x128xf32> to vector<1280x64xf32>
    %swap3A_30 = arith.constant 1 : index
    %swap3A_31 = arith.constant 0 : index
    %swap3A_32 = arith.constant 0 : index
    %swap3A_33 = vector.load %arg5[%swap3A_30, %swap3A_31, %swap3A_32] : memref<2x1280x64xf32, #tpu.memory_space<vmem>>, vector<1x1280x64xf32>
    %swap3A_34 = vector.shape_cast %swap3A_33 : vector<1x1280x64xf32> to vector<1280x64xf32>
    %swap3A_35 = vector.shape_cast %slice3A_29 : vector<1280x64xf32> to vector<1x1280x64xf32>
    tpu.vector_store %arg5[%swap3A_30, %swap3A_31, %swap3A_32], %swap3A_35 {strides = array<i32>} : memref<2x1280x64xf32, #tpu.memory_space<vmem>>, vector<1x1280x64xf32>,
    return
  }
  func.func @transform_0(%arg0: i32) -> (i32, i32) {
    %c0_i32 = arith.constant 0 : i32
    %c0_i32_0 = arith.constant 0 : i32
    return %arg0, %c0_i32 : i32, i32
  }
  func.func @transform_1(%arg0: i32) -> (i32, i32) {
    %c0_i32 = arith.constant 0 : i32
    %c0_i32_0 = arith.constant 0 : i32
    %c0_i32_1 = arith.constant 0 : i32
    return %c0_i32, %c0_i32_0 : i32, i32
  }
  func.func @transform_2(%arg0: i32) -> (i32, i32) {
    %c0_i32 = arith.constant 0 : i32
    %c0_i32_0 = arith.constant 0 : i32
    return %arg0, %c0_i32 : i32, i32
  }
  func.func @transform_3(%arg0: i32) -> (i32, i32) {
    %c0_i32 = arith.constant 0 : i32
    %c0_i32_0 = arith.constant 0 : i32
    return %arg0, %c0_i32 : i32, i32
  }
  func.func @transform_4(%arg0: i32) -> (i32, i32, i32) {
    %c0_i32 = arith.constant 0 : i32
    %c0_i32_0 = arith.constant 0 : i32
    %c0_i32_1 = arith.constant 0 : i32
    return %c0_i32, %arg0, %c0_i32_0 : i32, i32, i32
  }
  func.func @transform_5(%arg0: i32) -> (i32, i32) {
    %c0_i32 = arith.constant 0 : i32
    %c0_i32_0 = arith.constant 0 : i32
    return %arg0, %c0_i32 : i32, i32
  }
}

module attributes {stable_mosaic.version = 14 : i64} {
  func.func @_dense2_body(%arg0: i32, %arg1: memref<2x1280x64xf32, #tpu.memory_space<vmem>>, %arg2: memref<1280x1xf32, #tpu.memory_space<vmem>>, %arg3: memref<1x128xf32, #tpu.memory_space<vmem>>, %arg4: memref<128x128xf32, #tpu.memory_space<vmem>>, %arg5: memref<2x1280x64xf32, #tpu.memory_space<vmem>>) attributes {dimension_semantics = [#tpu.dimension_semantics<arbitrary>], iteration_bounds = array<i64: 8>, scalar_prefetch = 0 : i64, scratch_operands = 0 : i64, tpu.core_type = #tpu.core_type<tc>, window_params = [{transform_indices = @transform_0, window_bounds = array<i64: 2, 1280, 64>}, {transform_indices = @transform_1, window_bounds = array<i64: 1280, 1>}, {pipeline_mode = #tpu.pipeline_mode<synchronous>, transform_indices = @transform_2, window_bounds = array<i64: 1, 128>}, {pipeline_mode = #tpu.pipeline_mode<synchronous>, transform_indices = @transform_3, window_bounds = array<i64: 128, 128>}, {transform_indices = @transform_4, window_bounds = array<i64: 2, 1280, 64>}]} {
    %get3A = arith.constant 0 : index
    %get3A_0 = arith.constant 0 : index
    %get3A_1 = vector.load %arg2[%get3A, %get3A_0] : memref<1280x1xf32, #tpu.memory_space<vmem>>, vector<1280x1xf32>
    %get3A_2 = arith.constant 0 : index
    %get3A_3 = arith.constant 0 : index
    %get3A_4 = arith.constant 0 : index
    %get3A_5 = vector.load %arg1[%get3A_2, %get3A_3, %get3A_4] : memref<2x1280x64xf32, #tpu.memory_space<vmem>>, vector<1x1280x64xf32>
    %get3A_6 = vector.shape_cast %get3A_5 : vector<1x1280x64xf32> to vector<1280x64xf32>
    %get3A_7 = arith.constant 1 : index
    %get3A_8 = arith.constant 0 : index
    %get3A_9 = arith.constant 0 : index
    %get3A_10 = vector.load %arg1[%get3A_7, %get3A_8, %get3A_9] : memref<2x1280x64xf32, #tpu.memory_space<vmem>>, vector<1x1280x64xf32>
    %get3A_11 = vector.shape_cast %get3A_10 : vector<1x1280x64xf32> to vector<1280x64xf32>
    %concatenate3A = tpu.concatenate %get3A_6, %get3A_11 in 1 : vector<1280x64xf32>, vector<1280x64xf32> -> vector<1280x128xf32>
    %mul3A = vector.broadcast %get3A_1 : vector<1280x1xf32> to vector<1280x128xf32>
    %mul3A_12 = arith.mulf %mul3A, %concatenate3A : vector<1280x128xf32>
    %get3A_13 = arith.constant 0 : index
    %get3A_14 = arith.constant 0 : index
    %get3A_15 = vector.load %arg3[%get3A_13, %get3A_14] : memref<1x128xf32, #tpu.memory_space<vmem>>, vector<1x128xf32>
    %add3A = vector.broadcast %get3A_15 : vector<1x128xf32> to vector<1280x128xf32>
    %add3A_16 = arith.addf %mul3A_12, %add3A : vector<1280x128xf32>
    %max3A = arith.constant 0.000000e+00 : f32
    %max3A_17 = vector.broadcast %max3A : f32 to vector<1280x128xf32>
    %max3A_18 = arith.maximumf %add3A_16, %max3A_17 : vector<1280x128xf32>
    %get3A_19 = arith.constant 0 : index
    %get3A_20 = arith.constant 0 : index
    %get3A_21 = vector.load %arg4[%get3A_19, %get3A_20] : memref<128x128xf32, #tpu.memory_space<vmem>>, vector<128x128xf32>
    %dot_general3A = arith.constant dense<0.000000e+00> : vector<1280x128xf32>
    %dot_general3A_22 = tpu.matmul %max3A_18, %get3A_21, %dot_general3A {dimension_numbers = #tpu.dot_dimension_numbers<[1], [0], [0], [1], [0, 0, 1, 1], [], []>, transpose_lhs_hint = false} : vector<1280x128xf32>, vector<128x128xf32>, vector<1280x128xf32> -> vector<1280x128xf32>
    %mul3A_23 = vector.broadcast %get3A_1 : vector<1280x1xf32> to vector<1280x128xf32>
    %mul3A_24 = arith.mulf %mul3A_23, %dot_general3A_22 : vector<1280x128xf32>
    %slice3A = vector.extract_strided_slice %mul3A_24 {offsets = [0, 0], sizes = [1280, 64], strides = [1, 1]} : vector<1280x128xf32> to vector<1280x64xf32>
    %swap3A = arith.constant 0 : index
    %swap3A_25 = arith.constant 0 : index
    %swap3A_26 = arith.constant 0 : index
    %swap3A_27 = vector.load %arg5[%swap3A, %swap3A_25, %swap3A_26] : memref<2x1280x64xf32, #tpu.memory_space<vmem>>, vector<1x1280x64xf32>
    %swap3A_28 = vector.shape_cast %swap3A_27 : vector<1x1280x64xf32> to vector<1280x64xf32>
    %swap3A_29 = vector.shape_cast %slice3A : vector<1280x64xf32> to vector<1x1280x64xf32>
    tpu.vector_store %arg5[%swap3A, %swap3A_25, %swap3A_26], %swap3A_29 {strides = array<i32>} : memref<2x1280x64xf32, #tpu.memory_space<vmem>>, vector<1x1280x64xf32>,
    %slice3A_30 = vector.extract_strided_slice %mul3A_24 {offsets = [0, 64], sizes = [1280, 64], strides = [1, 1]} : vector<1280x128xf32> to vector<1280x64xf32>
    %swap3A_31 = arith.constant 1 : index
    %swap3A_32 = arith.constant 0 : index
    %swap3A_33 = arith.constant 0 : index
    %swap3A_34 = vector.load %arg5[%swap3A_31, %swap3A_32, %swap3A_33] : memref<2x1280x64xf32, #tpu.memory_space<vmem>>, vector<1x1280x64xf32>
    %swap3A_35 = vector.shape_cast %swap3A_34 : vector<1x1280x64xf32> to vector<1280x64xf32>
    %swap3A_36 = vector.shape_cast %slice3A_30 : vector<1280x64xf32> to vector<1x1280x64xf32>
    tpu.vector_store %arg5[%swap3A_31, %swap3A_32, %swap3A_33], %swap3A_36 {strides = array<i32>} : memref<2x1280x64xf32, #tpu.memory_space<vmem>>, vector<1x1280x64xf32>,
    return
  }
  func.func @transform_0(%arg0: i32) -> (i32, i32, i32) {
    %c0_i32 = arith.constant 0 : i32
    %c0_i32_0 = arith.constant 0 : i32
    %c0_i32_1 = arith.constant 0 : i32
    return %c0_i32, %arg0, %c0_i32_0 : i32, i32, i32
  }
  func.func @transform_1(%arg0: i32) -> (i32, i32) {
    %c0_i32 = arith.constant 0 : i32
    %c0_i32_0 = arith.constant 0 : i32
    return %arg0, %c0_i32 : i32, i32
  }
  func.func @transform_2(%arg0: i32) -> (i32, i32) {
    %c0_i32 = arith.constant 0 : i32
    %c0_i32_0 = arith.constant 0 : i32
    %c0_i32_1 = arith.constant 0 : i32
    return %c0_i32, %c0_i32_0 : i32, i32
  }
  func.func @transform_3(%arg0: i32) -> (i32, i32) {
    %c0_i32 = arith.constant 0 : i32
    %c0_i32_0 = arith.constant 0 : i32
    %c0_i32_1 = arith.constant 0 : i32
    return %c0_i32, %c0_i32_0 : i32, i32
  }
  func.func @transform_4(%arg0: i32) -> (i32, i32, i32) {
    %c0_i32 = arith.constant 0 : i32
    %c0_i32_0 = arith.constant 0 : i32
    %c0_i32_1 = arith.constant 0 : i32
    return %c0_i32, %arg0, %c0_i32_0 : i32, i32, i32
  }
}

module attributes {stable_mosaic.version = 14 : i64} {
  func.func @_dense3_body(%arg0: i32, %arg1: memref<2x1280x64xf32, #tpu.memory_space<vmem>>, %arg2: memref<1280x1xf32, #tpu.memory_space<vmem>>, %arg3: memref<1x128xf32, #tpu.memory_space<vmem>>, %arg4: memref<128x64xf32, #tpu.memory_space<vmem>>, %arg5: memref<1x64xf32, #tpu.memory_space<vmem>>, %arg6: memref<1280x64xf32, #tpu.memory_space<vmem>>) attributes {dimension_semantics = [#tpu.dimension_semantics<arbitrary>], iteration_bounds = array<i64: 8>, scalar_prefetch = 0 : i64, scratch_operands = 0 : i64, tpu.core_type = #tpu.core_type<tc>, window_params = [{transform_indices = @transform_0, window_bounds = array<i64: 2, 1280, 64>}, {transform_indices = @transform_1, window_bounds = array<i64: 1280, 1>}, {pipeline_mode = #tpu.pipeline_mode<synchronous>, transform_indices = @transform_2, window_bounds = array<i64: 1, 128>}, {pipeline_mode = #tpu.pipeline_mode<synchronous>, transform_indices = @transform_3, window_bounds = array<i64: 128, 64>}, {pipeline_mode = #tpu.pipeline_mode<synchronous>, transform_indices = @transform_4, window_bounds = array<i64: 1, 64>}, {transform_indices = @transform_5, window_bounds = array<i64: 1280, 64>}]} {
    %get3A = arith.constant 0 : index
    %get3A_0 = arith.constant 0 : index
    %get3A_1 = arith.constant 0 : index
    %get3A_2 = vector.load %arg1[%get3A, %get3A_0, %get3A_1] : memref<2x1280x64xf32, #tpu.memory_space<vmem>>, vector<1x1280x64xf32>
    %get3A_3 = vector.shape_cast %get3A_2 : vector<1x1280x64xf32> to vector<1280x64xf32>
    %get3A_4 = arith.constant 1 : index
    %get3A_5 = arith.constant 0 : index
    %get3A_6 = arith.constant 0 : index
    %get3A_7 = vector.load %arg1[%get3A_4, %get3A_5, %get3A_6] : memref<2x1280x64xf32, #tpu.memory_space<vmem>>, vector<1x1280x64xf32>
    %get3A_8 = vector.shape_cast %get3A_7 : vector<1x1280x64xf32> to vector<1280x64xf32>
    %concatenate3A = tpu.concatenate %get3A_3, %get3A_8 in 1 : vector<1280x64xf32>, vector<1280x64xf32> -> vector<1280x128xf32>
    %get3A_9 = arith.constant 0 : index
    %get3A_10 = arith.constant 0 : index
    %get3A_11 = vector.load %arg2[%get3A_9, %get3A_10] : memref<1280x1xf32, #tpu.memory_space<vmem>>, vector<1280x1xf32>
    %mul3A = vector.broadcast %get3A_11 : vector<1280x1xf32> to vector<1280x128xf32>
    %mul3A_12 = arith.mulf %mul3A, %concatenate3A : vector<1280x128xf32>
    %get3A_13 = arith.constant 0 : index
    %get3A_14 = arith.constant 0 : index
    %get3A_15 = vector.load %arg3[%get3A_13, %get3A_14] : memref<1x128xf32, #tpu.memory_space<vmem>>, vector<1x128xf32>
    %add3A = vector.broadcast %get3A_15 : vector<1x128xf32> to vector<1280x128xf32>
    %add3A_16 = arith.addf %mul3A_12, %add3A : vector<1280x128xf32>
    %max3A = arith.constant 0.000000e+00 : f32
    %max3A_17 = vector.broadcast %max3A : f32 to vector<1280x128xf32>
    %max3A_18 = arith.maximumf %add3A_16, %max3A_17 : vector<1280x128xf32>
    %get3A_19 = arith.constant 0 : index
    %get3A_20 = arith.constant 0 : index
    %get3A_21 = vector.load %arg4[%get3A_19, %get3A_20] : memref<128x64xf32, #tpu.memory_space<vmem>>, vector<128x64xf32>
    %dot_general3A = arith.constant dense<0.000000e+00> : vector<1280x64xf32>
    %dot_general3A_22 = tpu.matmul %max3A_18, %get3A_21, %dot_general3A {dimension_numbers = #tpu.dot_dimension_numbers<[1], [0], [0], [1], [0, 0, 1, 1], [], []>, transpose_lhs_hint = false} : vector<1280x128xf32>, vector<128x64xf32>, vector<1280x64xf32> -> vector<1280x64xf32>
    %get3A_23 = arith.constant 0 : index
    %get3A_24 = arith.constant 0 : index
    %get3A_25 = vector.load %arg5[%get3A_23, %get3A_24] : memref<1x64xf32, #tpu.memory_space<vmem>>, vector<1x64xf32>
    %add3A_26 = vector.broadcast %get3A_25 : vector<1x64xf32> to vector<1280x64xf32>
    %add3A_27 = arith.addf %dot_general3A_22, %add3A_26 : vector<1280x64xf32>
    %swap3A = arith.constant 0 : index
    %swap3A_28 = arith.constant 0 : index
    %swap3A_29 = vector.load %arg6[%swap3A, %swap3A_28] : memref<1280x64xf32, #tpu.memory_space<vmem>>, vector<1280x64xf32>
    tpu.vector_store %arg6[%swap3A, %swap3A_28], %add3A_27 {strides = array<i32>} : memref<1280x64xf32, #tpu.memory_space<vmem>>, vector<1280x64xf32>,
    return
  }
  func.func @transform_0(%arg0: i32) -> (i32, i32, i32) {
    %c0_i32 = arith.constant 0 : i32
    %c0_i32_0 = arith.constant 0 : i32
    %c0_i32_1 = arith.constant 0 : i32
    return %c0_i32, %arg0, %c0_i32_0 : i32, i32, i32
  }
  func.func @transform_1(%arg0: i32) -> (i32, i32) {
    %c0_i32 = arith.constant 0 : i32
    %c0_i32_0 = arith.constant 0 : i32
    return %arg0, %c0_i32 : i32, i32
  }
  func.func @transform_2(%arg0: i32) -> (i32, i32) {
    %c0_i32 = arith.constant 0 : i32
    %c0_i32_0 = arith.constant 0 : i32
    %c0_i32_1 = arith.constant 0 : i32
    return %c0_i32, %c0_i32_0 : i32, i32
  }
  func.func @transform_3(%arg0: i32) -> (i32, i32) {
    %c0_i32 = arith.constant 0 : i32
    %c0_i32_0 = arith.constant 0 : i32
    %c0_i32_1 = arith.constant 0 : i32
    return %c0_i32, %c0_i32_0 : i32, i32
  }
  func.func @transform_4(%arg0: i32) -> (i32, i32) {
    %c0_i32 = arith.constant 0 : i32
    %c0_i32_0 = arith.constant 0 : i32
    %c0_i32_1 = arith.constant 0 : i32
    return %c0_i32, %c0_i32_0 : i32, i32
  }
  func.func @transform_5(%arg0: i32) -> (i32, i32) {
    %c0_i32 = arith.constant 0 : i32
    %c0_i32_0 = arith.constant 0 : i32
    return %arg0, %c0_i32 : i32, i32
  }
}

</mosaic_0001>

<sc_bundles>
// kernel: kernel.11.cloned.1.call-start
scs
__scs_entry_jumppad:
0x0: {  	(pc) =	sbr.rel $0x88, $3  }
0x1: {  	(tag) =	ssettag $0x0;
	lr =	simm.s32 $0x1  }
0x2: {  	[smem:$0x3F99] =	sst lr;
	_ =	strace $0xD0000000  }
0x3: {  	_ = 	snop  }
0x4: {  	_ = 	snop  }
0x5: {  	_ = 	snop  }
0x6: {  	_ = 	snop  }
0x7: {  	_ = 	snop  }
__scs_overlays_trampoline_lowered:
0x8: {  	[smem:$0x3FA8] =	sst s0  }
0x9: {  	[smem:$0x3FA9] =	sst s1  }
0xa: {  	[smem:$0x3FAA] =	sst s2  }
0xb: {  	[smem:$0x3FAB] =	sst s3  }
0xc: {  	[smem:$0x3FAC] =	sst s4  }
0xd: {  	[smem:$0x3FAD] =	sst s5  }
0xe: {  	[smem:$0x3FAE] =	sst s6  }
0xf: {  	[smem:$0x3FAF] =	sst s7  }
0x10: {  	[smem:$0x3FB0] =	sst s8  }
0x11: {  	[smem:$0x3FB1] =	sst s9;
	s0 =	simm.s32 @!p0 $0x0  }
0x12: {  	s1 =	sld [smem:$0x3F97];
	s0 =	simm.s32 @p0 $0x1  }
0x13: {  	[smem:$0x3FB2] =	sst s0;
	s0 =	simm.s32 @!p1 $0x0  }
0x14: {  	s2 =	sld [smem:$0x3F96];
	s0 =	simm.s32 @p1 $0x1  }
0x15: {  	[smem:$0x3FB3] =	sst s0;
	s0 =	simm.s32 @!p2 $0x0  }
0x16: {  	s3 =	sld [smem:$0x3FDB];
	s0 =	simm.s32 @p2 $0x1  }
0x17: {  	s4 =	simm.s32 $0x1BF5;
	[smem:$0x3FB5] =	sst s0  }
0x18: {  	s0 =	sld [smem:$0x3F98];
	_ =	swait.ge [sflag:s4], $0x0  }
0x19: {  	s7 =	sld [smem:$0x3F99]  }
0x1a: {  	s8 =	sadd.s32 $0xFFFFE003, lr  }
0x1b: {  	s9 =	sadd.s32 $0xFFFFFEF7, lr;
	s5 =	simm.s32 $0xFFFFFFFF;
	p2 =	slt.u32 s8, $0xFFFFF086  }
0x1c: {  	p1 =	slt.u32 s9, $0xF7A;
	s5 =	simm.s32 @!p2 $0x0  }
0x1d: {  	s5 =	simm.s32 @p1 $0x1;
	p0 =	seq.s32 s7, s2  }
0x1e: {  	s7 =	smul.u32 @!p0 $0xF7A, s2;
	p2 =	seq.s32 @!p0 s5, $0x0  }
0x1f: {  	s9 =	smul.u32 $0xF7A, s1;
	s8 =	simm.s32 @!p0 $0x1BF5;
	p2 =	por !p2, p0  }
0x20: {  	[sflag:s8] =	ssyncset.s32 @!p0 $0xFFFFF086;
	s6 =	sadd.s32 @!p0 s3, s7;
	s7 =	simm.s32 @!p0 $0x108  }
0x21: {  	s3 =	sadd.s32 s3, s9;
	s6 =	sadd.s32 @!p0 $0x88, s6;
	s7 =	simm.s32 @p2 $0x1082  }
0x22: {  	[simem:s7], [sflag:s8] =	dma.local @!p0 [hbm:s6], $0xF7A  }
0x23: {  	s9 =	sor.u32 $0xD0000000, s2;
	s6 =	simm.s32 $0x108;
	_ =	swait.ge @!p0 [sflag:s8], $0x0  }
0x24: {  	s3 =	sadd.s32 $0x88, s3;
	s6 =	simm.s32 @!p1 $0x1082;
	[sflag:s4] =	ssyncset.s32 $0xFFFFF086  }
0x25: {  	[simem:s6], [sflag:s4] =	dma.local [hbm:s3], $0xF7A  }
0x26: {  	[smem:$0x3F99] =	sst s1;
	(tag) =	ssettag s2;
	_ =	strace s9  }
0x27: {  	s1 =	sld [smem:$0x3FA9]  }
0x28: {  	s2 =	sld [smem:$0x3FAA]  }
0x29: {  	s4 =	sld [smem:$0x3FAC]  }
0x2a: {  	p0 =	seq.s32 s5, $0x0;
	s5 =	sld [smem:$0x3FAD]  }
0x2b: {  	s6 =	sld [smem:$0x3FAE]  }
0x2c: {  	s7 =	sld [smem:$0x3FAF]  }
0x2d: {  	s3 =	simm.s32 $0x108;
	s8 =	sld [smem:$0x3FB0]  }
0x2e: {  	s3 =	simm.s32 @!p0 $0x1082;
	s9 =	sld [smem:$0x3FB1]  }
0x2f: {  	lr =	sadd.s32 s0, s3;
	s0 =	sld [smem:$0x3FA8]  }
0x30: {  	s3 =	sld [smem:$0x3FAB]  }
0x31: {  	[smem:$0x3FB4] =	sst s10  }
0x32: {  	s10 =	sld [smem:$0x3FB2];
	_ =	sdelay $0x3  }
0x33: {  	p0 =	seq.s32 s10, $0x1;
	s10 =	sld [smem:$0x3FB4];
	_ =	sdelay $0x3  }
0x34: {  	[smem:$0x3FB4] =	sst s10  }
0x35: {  	s10 =	sld [smem:$0x3FB3];
	_ =	sdelay $0x3  }
0x36: {  	p1 =	seq.s32 s10, $0x1;
	s10 =	sld [smem:$0x3FB4];
	_ =	sdelay $0x3  }
0x37: {  	[smem:$0x3FB4] =	sst s10  }
0x38: {  	s10 =	sld [smem:$0x3FB5]  }
0x39: {  	_ = 	snop;
	(pc) =	sbr.ind lr, $3  }
0x3a: {  	_ = 	snop  }
0x3b: {  	_ = 	snop  }
0x3c: {  	p2 =	seq.s32 s10, $0x1;
	s10 =	sld [smem:$0x3FB4]  }
0x3d: {  	_ =	shalt  }
0x3e: {  	_ =	shalt  }
0x3f: {  	_ =	shalt  }
0x40: {  	_ =	shalt  }
0x41: {  	_ =	shalt  }
0x42: {  	_ =	shalt  }
0x43: {  	_ =	shalt  }
0x44: {  	_ =	shalt  }
0x45: {  	_ =	shalt  }
0x46: {  	_ =	shalt  }
0x47: {  	_ =	shalt  }
0x48: {  	_ =	shalt  }
0x49: {  	_ =	shalt  }
0x4a: {  	_ =	shalt  }
0x4b: {  	_ =	shalt  }
0x4c: {  	_ =	shalt  }
0x4d: {  	_ =	shalt  }
0x4e: {  	_ =	shalt  }
0x4f: {  	_ =	shalt  }
0x50: {  	_ =	shalt  }
0x51: {  	_ =	shalt  }
0x52: {  	_ =	shalt  }
0x53: {  	_ =	shalt  }
0x54: {  	_ =	shalt  }
0x55: {  	_ =	shalt  }
0x56: {  	_ =	shalt  }
0x57: {  	_ =	shalt  }
0x58: {  	_ =	shalt  }
0x59: {  	_ =	shalt  }
0x5a: {  	_ =	shalt  }
0x5b: {  	_ =	shalt  }
0x5c: {  	_ =	shalt  }
0x5d: {  	_ =	shalt  }
0x5e: {  	_ =	shalt  }
0x5f: {  	_ =	shalt  }
0x60: {  	_ =	shalt  }
0x61: {  	_ =	shalt  }
0x62: {  	_ =	shalt  }
0x63: {  	_ =	shalt  }
0x64: {  	_ =	shalt  }
0x65: {  	_ =	shalt  }
0x66: {  	_ =	shalt  }
0x67: {  	_ =	shalt  }
0x68: {  	_ =	shalt  }
0x69: {  	_ =	shalt  }
0x6a: {  	_ =	shalt  }
0x6b: {  	_ =	shalt  }
0x6c: {  	_ =	shalt  }
0x6d: {  	_ =	shalt  }
0x6e: {  	_ =	shalt  }
0x6f: {  	_ =	shalt  }
0x70: {  	_ =	shalt  }
0x71: {  	_ =	shalt  }
0x72: {  	_ =	shalt  }
0x73: {  	_ =	shalt  }
0x74: {  	_ =	shalt  }
0x75: {  	_ =	shalt  }
0x76: {  	_ =	shalt  }
0x77: {  	_ =	shalt  }
0x78: {  	_ =	shalt  }
0x79: {  	_ =	shalt  }
0x7a: {  	_ =	shalt  }
0x7b: {  	_ =	shalt  }
0x7c: {  	_ =	shalt  }
0x7d: {  	_ =	shalt  }
0x7e: {  	_ =	shalt  }
0x7f: {  	_ =	shalt  }
0x80: {  	_ =	shalt  }
0x81: {  	_ =	shalt  }
0x82: {  	_ =	shalt  }
0x83: {  	_ =	shalt  }
0x84: {  	_ =	shalt  }
0x85: {  	_ =	shalt  }
0x86: {  	_ =	shalt  }
0x87: {  	_ =	shalt  }
.Lfunc_end0:
.L_simem_size_0:
called_computation.1_lowered:
.L_overlay_start_0:
0x88: {  	s2 =	sld [smem:$0x3FD9]  }
0x89: {  	s3 =	sld [smem:$0x3FFE];
	_ =	sdelay $0x1  }
0x8a: {  	s1 =	srdreg.scid  }
0x8b: {  	s0 =	sand.u32 $0x1, s1  }
0x8c: {  	s16 =	sshll.u32 s0, $0xA;
	s2 =	sadd.s32 s3, s2  }
0x8d: {  	s2 =	sadd.s32 s2, s16  }
0x8e: {  	[smem:$0x3FC0] =	sst s2  }
0x8f: {  	_ = 	snop  }
0x90: {  	(tm) =	ssettm $0x1  }
0x91: {  	s17 =	sld [smem:$0x3FFB];
	_ =	sdelay $0x3  }
0x92: {  	_ =	strace s17  }
0x93: {  	s2 =	sld [smem:$0x3FFC];
	_ =	sdelay $0x3  }
0x94: {  	_ =	strace s2  }
0x95: {  	s2 =	sld [smem:$0x3FFD];
	_ =	sdelay $0x3  }
0x96: {  	_ =	strace s2  }
0x97: {  	_ =	strace $0x8FFFFFFF  }
0x98: {  	s18 =	sld [smem:$0x3FDB];
	_ =	sdelay $0x1  }
0x99: {  	s19 =	simm.s32 $_scs_section_size  }
0x9a: {  	s4 =	simm.s32 $_size__tile_overlayer_lowered;
	s5 =	simm.s32 $_tile_overlayer_lowered  }
0x9b: {  	s22 =	simm.s32 $0x1BFF;
	s21 =	sshll.u32 s5, $0x1;
	s2 =	sadd.s32 s19, s18  }
0x9c: {  	s6 =	simm.s32 $0x0;
	s20 =	sshll.u32 s4, $0x1;
	s4 =	sadd.s32 s21, s2  }
0x9d: {  	[timem:s6], [sflag:s22] =	dma.local [hbm:s4], s20  }
0x9e: {  	_ =	swait.ge [sflag:s22], s20  }
0x9f: {  	s3 =	ssub.s32 $0x0, s20;
	[sflag:s22] =	ssyncset.done $0x0  }
0xa0: {  	[sflag:s22] =	ssyncadd.s32 s3;
	_ =	sdelay $0x1  }
0xa1: {  	s23 =	simm.s32 $0x1B8B  }
0xa2: {  	_ =	swait.ge [sflag:s23], $0x1  }
0xa3: {  	[sflag:s23] =	ssyncset.done $0x0  }
0xa4: {  	s25 =	simm.s32 $0x1B8E;
	s24 =	sld [smem:$0x3FFE];
	[sflag:s23] =	ssyncadd.s32 $0xFFFFFFFF  }
0xa5: {  	s26 =	simm.s32 $execute0_lowered;
	[smem:$0x3FD2] =	sst s25  }
0xa6: {  	s4 =	sshll.u32 s26, $0x1;
	_ =	strace $0x80000049;
	[dreg:$0x1] =	wrdreg $0xFFFFFFFF  }
0xa7: {  	s28 =	simm.s32 $_size_execute0_lowered;
	s2 =	sadd.s32 s2, s4;
	[dreg:$0x0] =	wrdreg $0x0  }
0xa8: {  	s4 =	sshll.u32 s28, $0x1;
	[dreg:$0x2] =	wrdreg s2  }
0xa9: {  	[dreg:$0x3] =	wrdreg s4  }
0xaa: {  	[dreg:$0x4] =	wrdreg $0xC0  }
0xab: {  	_ =	task [dreg:s6], $0x5FFFF  }
0xac: {  	[dreg:$0x1] =	wrdreg $0xFFFFFFFF  }
0xad: {  	[dreg:$0x0] =	wrdreg $0x60  }
0xae: {  	[dreg:$0x2] =	wrdreg s24  }
0xaf: {  	[dreg:$0x3] =	wrdreg $0x154000  }
0xb0: {  	[dreg:$0x4] =	wrdreg $0x9  }
0xb1: {  	_ =	task.clear_ibuf [dreg:s6], $0x5FFFF;
	_ =	strace $0x90000049  }
0xb2: {  	s29 =	simm.s32 $0x9;
	_ =	strace $0x8000004B  }
0xb3: {  	_ =	swait.ge [sflag:s29], $0x1  }
0xb4: {  	[sflag:s29] =	ssyncadd.s32 $0xFFFFFFFF  }
0xb5: {  	_ =	strace $0x9000004B  }
0xb6: {  	_ =	sfence  }
0xb7: {  	s30 =	sld [smem:$0x0];
	_ =	sdelay $0x2  }
0xb8: {  	s31 =	sshll.u32 s1, $0xD;
	s1 =	sshrl.u32 s1, $0x2  }
0xb9: {  	s3 =	sand.u32 $0x4000, s31;
	s1 =	sadd.s32 s1, s30  }
0xba: {  	s0 =	sor.u32 s3, s0;
	s1 =	sshll.u32 s1, $0x11  }
0xbb: {  	s0 =	sor.u32 s1, s0  }
0xbc: {  	s0 =	sadd.s32 $0x8F2B, s0  }
0xbd: {  	[sflag:s0] =	ssyncadd.remote.s32 $0x1  }
0xbe: {  	_ =	sfence.sel $0xFFFF  }
0xbf: {  	[dreg:$0x0] =	wrdreg $0xFFFFFFFF;
	(pc) =	sbr.abs _section_cstart, $3  }
0xc0: {  	[dreg:$0x1] =	wrdreg $0xFFFFFFFF  }
0xc1: {  	_ =	task.clear_ibuf [dreg:s6], $0x2FFFF;
	_ =	strace $0x9FFFFFFF  }
0xc2: {  	(tm) =	ssettm $0x7FFFFFFF  }
0xc3: {  	_ =	shalt  }
tec
execute0_lowered:
.L_overlay_start_1:
0x0: {  	(tag) =	ssettag $0x1  }
0x1: {  	s8 =	rddreg [dreg:$0x0]  }
0x2: {  	s1 =	rddreg [dreg:$0x1]  }
0x3: {  	s2 =	srdreg.scid;
	s0 =	rddreg [dreg:$0x2]  }
0x4: {  	s3 =	simm.s32 $0x0;
	s13 =	simm.s32 $0x5400;
	s15 =	simm.s32 $0x5000  }
0x5: {  	s16 =	simm.s32 $0xD400;
	s18 =	simm.s32 $0x5200;
	s21 =	simm.s32 $0x3  }
0x6: {  	s22 =	simm.s32 $0x2;
	s23 =	simm.s32 $0x4;
	s4 =	sand.u32 $0x1, s2  }
0x7: {  	s24 =	simm.s32 $0x0;
	s2 =	stileid.u32;
	s5 =	smul.u32 $0xA0000, s4  }
0x8: {  	[smem:$0x7FF] =	sst s3;
	s19 =	sadd.s32 $0xC800, s8;
	s6 =	smul.u32 $0xA000, s2  }
0x9: {  	_ =	strace $0x8000004A;
	s9 =	smul.u32 $0x5000, s2;
	s4 =	ssub.s32 $0x2, s4  }
0xa: {  	s31 =	sshll.u32 s2, $0x6;
	s20 =	smul.u32 $0xA00, s2;
	s29 =	sshrl.u32 s4, $0x1  }
0xb: {  	s7 =	sshrl.u32 s5, $0x3;
	s5 =	sadd.s32 s6, s5;
	s14 =	sshrl.u32 s9, $0x3  }
0xc: {  	s9 =	ssub.s32 s4, s29;
	s30 =	sshrl.u32 s6, $0x3;
	s12 =	sadd.s32 s6, s1  }
0xd: {  	s6 =	sor.u32 $0x1C05, s31;
	s7 =	sadd.s32 s7, s8;
	s5 =	sshrl.u32 s5, $0x3  }
0xe: {  	s10 =	sadd.s32 s14, s8;
	s17 =	sor.u32 $0x40, s14;
	s9 =	smax.u32 s9, $0x1  }
0xf: {  	s14 =	sadd.s32 s14, s19;
	s11 =	sadd.s32 s5, s8;
	s4 =	sadd.s32 $0x66800, s7  }
0x10: {  	s7 =	sadd.s32 $0x2800, s10;
	s10 =	sshrl.u32 s12, $0x3;
	s12 =	simm.s32 $0x200  }
0x11: {  	s17 =	sadd.s32 s19, s17;
	s19 =	sadd.s32 s19, s20;
	s20 =	simm.s32 $0x1  }
0x12: {  	s5 =	sadd.s32 s30, s4;
	s8 =	sadd.s32 $0x16800, s11;
	s11 =	simm.s32 $0x5  }
.LBB2_1:
0x13: {  	[spmem:s10], [sflag:s6] =	dma.local [hbm:s5], $0x1400  }
0x14: {  	_ =	swait.ge [sflag:s11], $0x1400  }
0x15: {  	[sflag:s11] =	ssyncset.done $0x0  }
0x16: {  	[sflag:s11] =	ssyncadd.s32 $0xFFFFEC00  }
0x17: {  	[tilespmem:s3], [sflag:$0x5] =	stream.linear.gather [hbm4b:s7+s3], $0x5000, $0x38;
	[tilespmem:$0x1F400] =	vst v63  }
0x18: {  	_ =	swait.ge [sflag:s11], $0x5000  }
0x19: {  	[sflag:s11] =	ssyncset.done $0x0  }
0x1a: {  	[sflag:s11] =	ssyncadd.s32 $0xFFFFB000  }
0x1b: {  	[bflag:$0x0] =	sbarrier.arrive $0xFFFF  }
0x1c: {  	[tilespmem:s13], [sflag:$0x1] =	stream.indirect.gather [hbm4b:s4+s12], $0x40, s3, s12, $0xb8;
	[tilespmem:$0x1F400] =	vst v63  }
0x1d: {  	_ = 	snop  }
0x1e: {  	[tilespmem:s15], [sflag:$0x3] =	stream.linear.gather [hbm4b:s14+s3], $0x200, $0x38;
	[tilespmem:$0x1F400] =	vst v63  }
0x1f: {  	_ = 	snop  }
0x20: {  	[tilespmem:s16], [sflag:$0x2] =	stream.indirect.gather [hbm4b:s4+s12], $0x40, s12, s12, $0xb8;
	[tilespmem:$0x1F400] =	vst v63  }
0x21: {  	_ = 	snop  }
0x22: {  	[tilespmem:s18], [sflag:$0x4] =	stream.linear.gather [hbm4b:s17+s3], $0x200, $0x38;
	[tilespmem:$0x1F400] =	vst v63  }
0x23: {  	_ =	swait.ge [sflag:s20], $0x8000  }
0x24: {  	[sflag:s20] =	ssyncset.done $0x0  }
0x25: {  	[sflag:s20] =	ssyncadd.s32 $0xFFFF8000  }
0x26: {  	_ =	swait.ge [sflag:s21], $0x200  }
0x27: {  	[sflag:s21] =	ssyncset.done $0x0  }
0x28: {  	[sflag:s21] =	ssyncadd.s32 $0xFFFFFE00  }
0x29: {  	[spmem:s1] =	stream.indirect.scatter.add.f32 [tilespmem:s13], [sflag:$0x5], $0x40, s15, s12, $0xb8;
	[tilespmem:$0x1F400] =	vst v63  }
0x2a: {  	_ =	swait.ge [sflag:s11], $0x8000  }
0x2b: {  	[sflag:s11] =	ssyncset.done $0x0  }
0x2c: {  	s25 =	simm.s32 $0x400;
	s26 =	sadd.s32 $0xFFFFF680, s19;
	[sflag:s11] =	ssyncadd.s32 $0xFFFF8000  }
0x2d: {  	[tilespmem:s13], [sflag:$0x1] =	stream.indirect.gather [hbm4b:s4+s12], $0x40, s25, s12, $0xb8;
	[tilespmem:$0x1F400] =	vst v63  }
0x2e: {  	s30 =	sadd.s32 $0xA00, s26  }
0x2f: {  	[tilespmem:s15], [sflag:$0x3] =	stream.linear.gather [hbm4b:s30+s3], $0x200, $0x38;
	[tilespmem:$0x1F400] =	vst v63  }
0x30: {  	_ =	swait.ge [sflag:s22], $0x8000  }
0x31: {  	[sflag:s22] =	ssyncset.done $0x0  }
0x32: {  	[sflag:s22] =	ssyncadd.s32 $0xFFFF8000  }
0x33: {  	_ =	swait.ge [sflag:s23], $0x200  }
0x34: {  	[sflag:s23] =	ssyncset.done $0x0  }
0x35: {  	[sflag:s23] =	ssyncadd.s32 $0xFFFFFE00  }
0x36: {  	[spmem:s1] =	stream.indirect.scatter.add.f32 [tilespmem:s16], [sflag:$0x5], $0x40, s18, s12, $0xb8;
	[tilespmem:$0x1F400] =	vst v63  }
0x37: {  	_ =	swait.ge [sflag:s11], $0x8000  }
0x38: {  	s31 =	simm.s32 $0x600;
	s28 =	sadd.s32 $0xA40, s26;
	[sflag:s11] =	ssyncset.done $0x0  }
0x39: {  	s26 =	simm.s32 $0x800;
	s25 =	simm.s32 $0xFFFFF700;
	[sflag:s11] =	ssyncadd.s32 $0xFFFF8000  }
0x3a: {  	[tilespmem:s16], [sflag:$0x2] =	stream.indirect.gather [hbm4b:s4+s12], $0x40, s31, s12, $0xb8;
	[tilespmem:$0x1F400] =	vst v63  }
.LBB2_2:
0x3b: {  	[tilespmem:s18], [sflag:$0x4] =	stream.linear.gather [hbm4b:s28+s3], $0x200, $0x38;
	[tilespmem:$0x1F400] =	vst v63  }
0x3c: {  	s28 =	smov.u32 s25  }
0x3d: {  	p0 =	sne.s32 s25, $0xFFFFFF80;
	s25 =	sadd.s32 $0x80, s25;
	_ =	swait.ge [sflag:s20], $0x8000  }
0x3e: {  	[sflag:s20] =	ssyncset.done $0x0  }
0x3f: {  	[sflag:s20] =	ssyncadd.s32 $0xFFFF8000  }
0x40: {  	_ =	swait.ge [sflag:s21], $0x200  }
0x41: {  	[sflag:s21] =	ssyncset.done $0x0  }
0x42: {  	[sflag:s21] =	ssyncadd.s32 $0xFFFFFE00  }
0x43: {  	[spmem:s1] =	stream.indirect.scatter.add.f32 [tilespmem:s13], [sflag:$0x5], $0x40, s15, s12, $0xb8;
	[tilespmem:$0x1F400] =	vst v63  }
0x44: {  	_ =	swait.ge [sflag:s11], $0x8000  }
0x45: {  	[sflag:s11] =	ssyncset.done $0x0  }
0x46: {  	s28 =	sadd.s32 s28, s19;
	[sflag:s11] =	ssyncadd.s32 $0xFFFF8000  }
0x47: {  	[tilespmem:s13], [sflag:$0x1] =	stream.indirect.gather [hbm4b:s4+s12], $0x40, s26, s12, $0xb8;
	[tilespmem:$0x1F400] =	vst v63  }
0x48: {  	s29 =	sadd.s32 $0xA00, s28  }
0x49: {  	[tilespmem:s15], [sflag:$0x3] =	stream.linear.gather [hbm4b:s29+s3], $0x200, $0x38;
	[tilespmem:$0x1F400] =	vst v63  }
0x4a: {  	_ =	swait.ge [sflag:s22], $0x8000  }
0x4b: {  	[sflag:s22] =	ssyncset.done $0x0  }
0x4c: {  	[sflag:s22] =	ssyncadd.s32 $0xFFFF8000  }
0x4d: {  	_ =	swait.ge [sflag:s23], $0x200  }
0x4e: {  	[sflag:s23] =	ssyncset.done $0x0  }
0x4f: {  	[sflag:s23] =	ssyncadd.s32 $0xFFFFFE00  }
0x50: {  	[spmem:s1] =	stream.indirect.scatter.add.f32 [tilespmem:s16], [sflag:$0x5], $0x40, s18, s12, $0xb8;
	[tilespmem:$0x1F400] =	vst v63  }
.Ltmp0:
0x51: {  	_ =	swait.ge [sflag:s11], $0x8000;
	(pc) =	sbr.rel @p0 .LBB2_2-.Ltmp0, $4  }
0x52: {  	[sflag:s11] =	ssyncset.done $0x0  }
0x53: {  	s29 =	sadd.s32 $0x200, s26;
	[sflag:s11] =	ssyncadd.s32 $0xFFFF8000  }
0x54: {  	[tilespmem:s16], [sflag:$0x2] =	stream.indirect.gather [hbm4b:s4+s12], $0x40, s29, s12, $0xb8;
	[tilespmem:$0x1F400] =	vst v63  }
0x55: {  	s28 =	sadd.s32 $0xA40, s28;
	s26 =	sadd.s32 $0x400, s26  }
0x56: {  	[tilespmem:s18], [sflag:$0x4] =	stream.linear.gather [hbm4b:s28+s3], $0x200, $0x38;
	[tilespmem:$0x1F400] =	vst v63  }
0x57: {  	_ =	swait.ge [sflag:s20], $0x8000  }
0x58: {  	[sflag:s20] =	ssyncset.done $0x0  }
0x59: {  	[sflag:s20] =	ssyncadd.s32 $0xFFFF8000  }
0x5a: {  	_ =	swait.ge [sflag:s21], $0x200  }
0x5b: {  	[sflag:s21] =	ssyncset.done $0x0  }
0x5c: {  	[sflag:s21] =	ssyncadd.s32 $0xFFFFFE00  }
0x5d: {  	[spmem:s1] =	stream.indirect.scatter.add.f32 [tilespmem:s13], [sflag:$0x5], $0x40, s15, s12, $0xb8;
	[tilespmem:$0x1F400] =	vst v63  }
0x5e: {  	_ =	swait.ge [sflag:s11], $0x8000  }
0x5f: {  	[sflag:s11] =	ssyncset.done $0x0  }
0x60: {  	[sflag:s11] =	ssyncadd.s32 $0xFFFF8000  }
0x61: {  	_ =	swait.ge [sflag:s22], $0x8000  }
0x62: {  	[sflag:s22] =	ssyncset.done $0x0  }
0x63: {  	[sflag:s22] =	ssyncadd.s32 $0xFFFF8000  }
0x64: {  	_ =	swait.ge [sflag:s23], $0x200  }
0x65: {  	[sflag:s23] =	ssyncset.done $0x0  }
0x66: {  	[sflag:s23] =	ssyncadd.s32 $0xFFFFFE00  }
0x67: {  	[spmem:s1] =	stream.indirect.scatter.add.f32 [tilespmem:s16], [sflag:$0x5], $0x40, s18, s12, $0xb8;
	[tilespmem:$0x1F400] =	vst v63  }
0x68: {  	_ =	swait.ge [sflag:s11], $0x8000  }
0x69: {  	s24 =	sadd.s32 $0x1, s24;
	[sflag:s11] =	ssyncset.done $0x0  }
0x6a: {  	p0 =	sne.s32 s24, s9;
	[sflag:s11] =	ssyncadd.s32 $0xFFFF8000  }
.Ltmp1:
0x6b: {  	[bflag:$0x0] =	sbarrier.arrive $0xFFFF;
	(pc) =	sbr.rel @p0 .LBB2_1-.Ltmp1, $4  }
0x6c: {  	[hbm:s8], [sflag:s6] =	dma.local [spmem:s10], $0x1400  }
0x6d: {  	_ =	swait.ge [sflag:s11], $0x1400  }
0x6e: {  	[sflag:s11] =	ssyncset.done $0x0  }
0x6f: {  	[sflag:s11] =	ssyncadd.s32 $0xFFFFEC00  }
0x70: {  	_ =	sfence.sel $0x180000  }
0x71: {  	[bflag:$0x0] =	sbarrier.arrive $0xFFFF  }
0x72: {  	p0 =	sne.s32 s2, $0x0;
	_ =	strace $0x9000004A  }
0x73: {  	s0 =	sadd.s32 @!p0 $0x100000, s0;
	[bflag:$0x2] =	sbarrier.arrive $0xFFFF  }
0x74: {  	[sflag:s0] =	ssyncadd.tile.s32 @!p0 $0x1;
	_ =	shalt  }
.Lfunc_end2:
_tile_overlayer_lowered:
.L_overlay_start_2:
0x75: {  	(tag) =	ssettag $0x2  }
0x76: {  	s0 =	rddreg [dreg:$0x0];
	s2 =	stileid.u32  }
0x77: {  	s1 =	rddreg [dreg:$0x1];
	p0 =	sne.s32 s2, $0x0  }
0x78: {  	s3 =	rddreg [dreg:$0x2];
	[bflag:$0x3] =	sbarrier.arrive $0xFFFF;
	s2 =	simm.s32 @!p0 $0x1C05  }
0x79: {  	[timem:s3], [sflag:s2] =	dma.local @!p0 [hbm:s0], s1  }
0x7a: {  	s0 =	simm.s32 @!p0 $0x5  }
0x7b: {  	_ =	swait.ge @!p0 [sflag:s0], s1  }
0x7c: {  	s1 =	ssub.s32 @!p0 $0x0, s1;
	[sflag:s0] =	ssyncset.done @!p0 $0x0  }
0x7d: {  	[sflag:s0] =	ssyncadd.s32 @!p0 s1  }
0x7e: {  	[bflag:$0x3] =	sbarrier.arrive $0xFFFF  }
0x7f: {  	_ =	shalt  }

// kernel: kernel.14.cloned.1.call-start
scs
__scs_entry_jumppad:
0x0: {  	(pc) =	sbr.rel $0x88, $3  }
0x1: {  	(tag) =	ssettag $0x0;
	lr =	simm.s32 $0x1  }
0x2: {  	[smem:$0x3F99] =	sst lr;
	_ =	strace $0xD0000000  }
0x3: {  	_ = 	snop  }
0x4: {  	_ = 	snop  }
0x5: {  	_ = 	snop  }
0x6: {  	_ = 	snop  }
0x7: {  	_ = 	snop  }
__scs_overlays_trampoline_lowered:
0x8: {  	[smem:$0x3FA8] =	sst s0  }
0x9: {  	[smem:$0x3FA9] =	sst s1  }
0xa: {  	[smem:$0x3FAA] =	sst s2  }
0xb: {  	[smem:$0x3FAB] =	sst s3  }
0xc: {  	[smem:$0x3FAC] =	sst s4  }
0xd: {  	[smem:$0x3FAD] =	sst s5  }
0xe: {  	[smem:$0x3FAE] =	sst s6  }
0xf: {  	[smem:$0x3FAF] =	sst s7  }
0x10: {  	[smem:$0x3FB0] =	sst s8  }
0x11: {  	[smem:$0x3FB1] =	sst s9;
	s0 =	simm.s32 @!p0 $0x0  }
0x12: {  	s1 =	sld [smem:$0x3F97];
	s0 =	simm.s32 @p0 $0x1  }
0x13: {  	[smem:$0x3FB2] =	sst s0;
	s0 =	simm.s32 @!p1 $0x0  }
0x14: {  	s2 =	sld [smem:$0x3F96];
	s0 =	simm.s32 @p1 $0x1  }
0x15: {  	[smem:$0x3FB3] =	sst s0;
	s0 =	simm.s32 @!p2 $0x0  }
0x16: {  	s3 =	sld [smem:$0x3FDB];
	s0 =	simm.s32 @p2 $0x1  }
0x17: {  	s4 =	simm.s32 $0x1BF5;
	[smem:$0x3FB5] =	sst s0  }
0x18: {  	s0 =	sld [smem:$0x3F98];
	_ =	swait.ge [sflag:s4], $0x0  }
0x19: {  	s7 =	sld [smem:$0x3F99]  }
0x1a: {  	s8 =	sadd.s32 $0xFFFFE003, lr  }
0x1b: {  	s9 =	sadd.s32 $0xFFFFFEF7, lr;
	s5 =	simm.s32 $0xFFFFFFFF;
	p2 =	slt.u32 s8, $0xFFFFF086  }
0x1c: {  	p1 =	slt.u32 s9, $0xF7A;
	s5 =	simm.s32 @!p2 $0x0  }
0x1d: {  	s5 =	simm.s32 @p1 $0x1;
	p0 =	seq.s32 s7, s2  }
0x1e: {  	s7 =	smul.u32 @!p0 $0xF7A, s2;
	p2 =	seq.s32 @!p0 s5, $0x0  }
0x1f: {  	s9 =	smul.u32 $0xF7A, s1;
	s8 =	simm.s32 @!p0 $0x1BF5;
	p2 =	por !p2, p0  }
0x20: {  	[sflag:s8] =	ssyncset.s32 @!p0 $0xFFFFF086;
	s6 =	sadd.s32 @!p0 s3, s7;
	s7 =	simm.s32 @!p0 $0x108  }
0x21: {  	s3 =	sadd.s32 s3, s9;
	s6 =	sadd.s32 @!p0 $0x88, s6;
	s7 =	simm.s32 @p2 $0x1082  }
0x22: {  	[simem:s7], [sflag:s8] =	dma.local @!p0 [hbm:s6], $0xF7A  }
0x23: {  	s9 =	sor.u32 $0xD0000000, s2;
	s6 =	simm.s32 $0x108;
	_ =	swait.ge @!p0 [sflag:s8], $0x0  }
0x24: {  	s3 =	sadd.s32 $0x88, s3;
	s6 =	simm.s32 @!p1 $0x1082;
	[sflag:s4] =	ssyncset.s32 $0xFFFFF086  }
0x25: {  	[simem:s6], [sflag:s4] =	dma.local [hbm:s3], $0xF7A  }
0x26: {  	[smem:$0x3F99] =	sst s1;
	(tag) =	ssettag s2;
	_ =	strace s9  }
0x27: {  	s1 =	sld [smem:$0x3FA9]  }
0x28: {  	s2 =	sld [smem:$0x3FAA]  }
0x29: {  	s4 =	sld [smem:$0x3FAC]  }
0x2a: {  	p0 =	seq.s32 s5, $0x0;
	s5 =	sld [smem:$0x3FAD]  }
0x2b: {  	s6 =	sld [smem:$0x3FAE]  }
0x2c: {  	s7 =	sld [smem:$0x3FAF]  }
0x2d: {  	s3 =	simm.s32 $0x108;
	s8 =	sld [smem:$0x3FB0]  }
0x2e: {  	s3 =	simm.s32 @!p0 $0x1082;
	s9 =	sld [smem:$0x3FB1]  }
0x2f: {  	lr =	sadd.s32 s0, s3;
	s0 =	sld [smem:$0x3FA8]  }
0x30: {  	s3 =	sld [smem:$0x3FAB]  }
0x31: {  	[smem:$0x3FB4] =	sst s10  }
0x32: {  	s10 =	sld [smem:$0x3FB2];
	_ =	sdelay $0x3  }
0x33: {  	p0 =	seq.s32 s10, $0x1;
	s10 =	sld [smem:$0x3FB4];
	_ =	sdelay $0x3  }
0x34: {  	[smem:$0x3FB4] =	sst s10  }
0x35: {  	s10 =	sld [smem:$0x3FB3];
	_ =	sdelay $0x3  }
0x36: {  	p1 =	seq.s32 s10, $0x1;
	s10 =	sld [smem:$0x3FB4];
	_ =	sdelay $0x3  }
0x37: {  	[smem:$0x3FB4] =	sst s10  }
0x38: {  	s10 =	sld [smem:$0x3FB5]  }
0x39: {  	_ = 	snop;
	(pc) =	sbr.ind lr, $3  }
0x3a: {  	_ = 	snop  }
0x3b: {  	_ = 	snop  }
0x3c: {  	p2 =	seq.s32 s10, $0x1;
	s10 =	sld [smem:$0x3FB4]  }
0x3d: {  	_ =	shalt  }
0x3e: {  	_ =	shalt  }
0x3f: {  	_ =	shalt  }
0x40: {  	_ =	shalt  }
0x41: {  	_ =	shalt  }
0x42: {  	_ =	shalt  }
0x43: {  	_ =	shalt  }
0x44: {  	_ =	shalt  }
0x45: {  	_ =	shalt  }
0x46: {  	_ =	shalt  }
0x47: {  	_ =	shalt  }
0x48: {  	_ =	shalt  }
0x49: {  	_ =	shalt  }
0x4a: {  	_ =	shalt  }
0x4b: {  	_ =	shalt  }
0x4c: {  	_ =	shalt  }
0x4d: {  	_ =	shalt  }
0x4e: {  	_ =	shalt  }
0x4f: {  	_ =	shalt  }
0x50: {  	_ =	shalt  }
0x51: {  	_ =	shalt  }
0x52: {  	_ =	shalt  }
0x53: {  	_ =	shalt  }
0x54: {  	_ =	shalt  }
0x55: {  	_ =	shalt  }
0x56: {  	_ =	shalt  }
0x57: {  	_ =	shalt  }
0x58: {  	_ =	shalt  }
0x59: {  	_ =	shalt  }
0x5a: {  	_ =	shalt  }
0x5b: {  	_ =	shalt  }
0x5c: {  	_ =	shalt  }
0x5d: {  	_ =	shalt  }
0x5e: {  	_ =	shalt  }
0x5f: {  	_ =	shalt  }
0x60: {  	_ =	shalt  }
0x61: {  	_ =	shalt  }
0x62: {  	_ =	shalt  }
0x63: {  	_ =	shalt  }
0x64: {  	_ =	shalt  }
0x65: {  	_ =	shalt  }
0x66: {  	_ =	shalt  }
0x67: {  	_ =	shalt  }
0x68: {  	_ =	shalt  }
0x69: {  	_ =	shalt  }
0x6a: {  	_ =	shalt  }
0x6b: {  	_ =	shalt  }
0x6c: {  	_ =	shalt  }
0x6d: {  	_ =	shalt  }
0x6e: {  	_ =	shalt  }
0x6f: {  	_ =	shalt  }
0x70: {  	_ =	shalt  }
0x71: {  	_ =	shalt  }
0x72: {  	_ =	shalt  }
0x73: {  	_ =	shalt  }
0x74: {  	_ =	shalt  }
0x75: {  	_ =	shalt  }
0x76: {  	_ =	shalt  }
0x77: {  	_ =	shalt  }
0x78: {  	_ =	shalt  }
0x79: {  	_ =	shalt  }
0x7a: {  	_ =	shalt  }
0x7b: {  	_ =	shalt  }
0x7c: {  	_ =	shalt  }
0x7d: {  	_ =	shalt  }
0x7e: {  	_ =	shalt  }
0x7f: {  	_ =	shalt  }
0x80: {  	_ =	shalt  }
0x81: {  	_ =	shalt  }
0x82: {  	_ =	shalt  }
0x83: {  	_ =	shalt  }
0x84: {  	_ =	shalt  }
0x85: {  	_ =	shalt  }
0x86: {  	_ =	shalt  }
0x87: {  	_ =	shalt  }
.Lfunc_end0:
.L_simem_size_0:
called_computation.2_lowered:
.L_overlay_start_0:
0x88: {  	s2 =	sld [smem:$0x3FD9]  }
0x89: {  	s3 =	sld [smem:$0x3FFE];
	_ =	sdelay $0x1  }
0x8a: {  	s1 =	srdreg.scid  }
0x8b: {  	s0 =	sand.u32 $0x1, s1  }
0x8c: {  	s16 =	sshll.u32 s0, $0xA;
	s2 =	sadd.s32 s3, s2  }
0x8d: {  	s2 =	sadd.s32 s2, s16  }
0x8e: {  	[smem:$0x3FC0] =	sst s2  }
0x8f: {  	_ = 	snop  }
0x90: {  	(tm) =	ssettm $0x1  }
0x91: {  	s17 =	sld [smem:$0x3FFB];
	_ =	sdelay $0x3  }
0x92: {  	_ =	strace s17  }
0x93: {  	s2 =	sld [smem:$0x3FFC];
	_ =	sdelay $0x3  }
0x94: {  	_ =	strace s2  }
0x95: {  	s2 =	sld [smem:$0x3FFD];
	_ =	sdelay $0x3  }
0x96: {  	_ =	strace s2  }
0x97: {  	_ =	strace $0x8FFFFFFF  }
0x98: {  	s18 =	sld [smem:$0x3FDB];
	_ =	sdelay $0x1  }
0x99: {  	s19 =	simm.s32 $_scs_section_size  }
0x9a: {  	s4 =	simm.s32 $_size__tile_overlayer_lowered;
	s5 =	simm.s32 $_tile_overlayer_lowered  }
0x9b: {  	s22 =	simm.s32 $0x1BFF;
	s21 =	sshll.u32 s5, $0x1;
	s2 =	sadd.s32 s19, s18  }
0x9c: {  	s6 =	simm.s32 $0x0;
	s20 =	sshll.u32 s4, $0x1;
	s4 =	sadd.s32 s21, s2  }
0x9d: {  	[timem:s6], [sflag:s22] =	dma.local [hbm:s4], s20  }
0x9e: {  	_ =	swait.ge [sflag:s22], s20  }
0x9f: {  	s3 =	ssub.s32 $0x0, s20;
	[sflag:s22] =	ssyncset.done $0x0  }
0xa0: {  	[sflag:s22] =	ssyncadd.s32 s3;
	_ =	sdelay $0x1  }
0xa1: {  	s23 =	simm.s32 $0x1B8B  }
0xa2: {  	_ =	swait.ge [sflag:s23], $0x1  }
0xa3: {  	[sflag:s23] =	ssyncset.done $0x0  }
0xa4: {  	s25 =	simm.s32 $0x1B8E;
	s24 =	sld [smem:$0x3FFE];
	[sflag:s23] =	ssyncadd.s32 $0xFFFFFFFF  }
0xa5: {  	s26 =	simm.s32 $execute0_lowered;
	[smem:$0x3FD2] =	sst s25  }
0xa6: {  	s4 =	sshll.u32 s26, $0x1;
	_ =	strace $0x8000004C;
	[dreg:$0x1] =	wrdreg $0xFFFFFFFF  }
0xa7: {  	s28 =	simm.s32 $_size_execute0_lowered;
	s2 =	sadd.s32 s2, s4;
	[dreg:$0x0] =	wrdreg $0x0  }
0xa8: {  	s4 =	sshll.u32 s28, $0x1;
	[dreg:$0x2] =	wrdreg s2  }
0xa9: {  	[dreg:$0x3] =	wrdreg s4  }
0xaa: {  	[dreg:$0x4] =	wrdreg $0xC0  }
0xab: {  	_ =	task [dreg:s6], $0x5FFFF  }
0xac: {  	[dreg:$0x1] =	wrdreg $0xFFFFFFFF  }
0xad: {  	[dreg:$0x0] =	wrdreg $0x60  }
0xae: {  	[dreg:$0x2] =	wrdreg s24  }
0xaf: {  	[dreg:$0x3] =	wrdreg $0x154000  }
0xb0: {  	[dreg:$0x4] =	wrdreg $0x9  }
0xb1: {  	_ =	task.clear_ibuf [dreg:s6], $0x5FFFF;
	_ =	strace $0x9000004C  }
0xb2: {  	s29 =	simm.s32 $0x9;
	_ =	strace $0x8000004E  }
0xb3: {  	_ =	swait.ge [sflag:s29], $0x1  }
0xb4: {  	[sflag:s29] =	ssyncadd.s32 $0xFFFFFFFF  }
0xb5: {  	_ =	strace $0x9000004E  }
0xb6: {  	_ =	sfence  }
0xb7: {  	s30 =	sld [smem:$0x0];
	_ =	sdelay $0x2  }
0xb8: {  	s31 =	sshll.u32 s1, $0xD;
	s1 =	sshrl.u32 s1, $0x2  }
0xb9: {  	s3 =	sand.u32 $0x4000, s31;
	s1 =	sadd.s32 s1, s30  }
0xba: {  	s0 =	sor.u32 s3, s0;
	s1 =	sshll.u32 s1, $0x11  }
0xbb: {  	s0 =	sor.u32 s1, s0  }
0xbc: {  	s0 =	sadd.s32 $0x8F2B, s0  }
0xbd: {  	[sflag:s0] =	ssyncadd.remote.s32 $0x1  }
0xbe: {  	_ =	sfence.sel $0xFFFF  }
0xbf: {  	[dreg:$0x0] =	wrdreg $0xFFFFFFFF;
	(pc) =	sbr.abs _section_cstart, $3  }
0xc0: {  	[dreg:$0x1] =	wrdreg $0xFFFFFFFF  }
0xc1: {  	_ =	task.clear_ibuf [dreg:s6], $0x2FFFF;
	_ =	strace $0x9FFFFFFF  }
0xc2: {  	(tm) =	ssettm $0x7FFFFFFF  }
0xc3: {  	_ =	shalt  }
tec
execute0_lowered:
.L_overlay_start_1:
0x0: {  	(tag) =	ssettag $0x1  }
0x1: {  	s8 =	rddreg [dreg:$0x0]  }
0x2: {  	s1 =	rddreg [dreg:$0x1]  }
0x3: {  	s2 =	srdreg.scid;
	s0 =	rddreg [dreg:$0x2]  }
0x4: {  	s3 =	simm.s32 $0x0;
	s13 =	simm.s32 $0x5400;
	s15 =	simm.s32 $0x5000  }
0x5: {  	s16 =	simm.s32 $0xD400;
	s18 =	simm.s32 $0x5200;
	s21 =	simm.s32 $0x3  }
0x6: {  	s22 =	simm.s32 $0x2;
	s23 =	simm.s32 $0x4;
	s4 =	sand.u32 $0x1, s2  }
0x7: {  	s24 =	simm.s32 $0x0;
	s2 =	stileid.u32;
	s5 =	smul.u32 $0xA0000, s4  }
0x8: {  	[smem:$0x7FF] =	sst s3;
	s19 =	sadd.s32 $0xC800, s8;
	s6 =	smul.u32 $0xA000, s2  }
0x9: {  	_ =	strace $0x8000004D;
	s9 =	smul.u32 $0x5000, s2;
	s4 =	ssub.s32 $0x2, s4  }
0xa: {  	s31 =	sshll.u32 s2, $0x6;
	s20 =	smul.u32 $0xA00, s2;
	s29 =	sshrl.u32 s4, $0x1  }
0xb: {  	s7 =	sshrl.u32 s5, $0x3;
	s5 =	sadd.s32 s6, s5;
	s14 =	sshrl.u32 s9, $0x3  }
0xc: {  	s9 =	ssub.s32 s4, s29;
	s30 =	sshrl.u32 s6, $0x3;
	s12 =	sadd.s32 s6, s1  }
0xd: {  	s6 =	sor.u32 $0x1C05, s31;
	s7 =	sadd.s32 s7, s8;
	s5 =	sshrl.u32 s5, $0x3  }
0xe: {  	s10 =	sadd.s32 s14, s8;
	s17 =	sor.u32 $0x40, s14;
	s9 =	smax.u32 s9, $0x1  }
0xf: {  	s14 =	sadd.s32 s14, s19;
	s11 =	sadd.s32 s5, s8;
	s4 =	sadd.s32 $0x16800, s7  }
0x10: {  	s7 =	sadd.s32 $0x2800, s10;
	s10 =	sshrl.u32 s12, $0x3;
	s12 =	simm.s32 $0x200  }
0x11: {  	s17 =	sadd.s32 s19, s17;
	s19 =	sadd.s32 s19, s20;
	s20 =	simm.s32 $0x1  }
0x12: {  	s5 =	sadd.s32 s30, s4;
	s8 =	sadd.s32 $0x3E800, s11;
	s11 =	simm.s32 $0x5  }
.LBB2_1:
0x13: {  	[spmem:s10], [sflag:s6] =	dma.local [hbm:s5], $0x1400  }
0x14: {  	_ =	swait.ge [sflag:s11], $0x1400  }
0x15: {  	[sflag:s11] =	ssyncset.done $0x0  }
0x16: {  	[sflag:s11] =	ssyncadd.s32 $0xFFFFEC00  }
0x17: {  	[tilespmem:s3], [sflag:$0x5] =	stream.linear.gather [hbm4b:s7+s3], $0x5000, $0x38;
	[tilespmem:$0x1F400] =	vst v63  }
0x18: {  	_ =	swait.ge [sflag:s11], $0x5000  }
0x19: {  	[sflag:s11] =	ssyncset.done $0x0  }
0x1a: {  	[sflag:s11] =	ssyncadd.s32 $0xFFFFB000  }
0x1b: {  	[bflag:$0x0] =	sbarrier.arrive $0xFFFF  }
0x1c: {  	[tilespmem:s13], [sflag:$0x1] =	stream.indirect.gather [hbm4b:s4+s12], $0x40, s3, s12, $0xb8;
	[tilespmem:$0x1F400] =	vst v63  }
0x1d: {  	_ = 	snop  }
0x1e: {  	[tilespmem:s15], [sflag:$0x3] =	stream.linear.gather [hbm4b:s14+s3], $0x200, $0x38;
	[tilespmem:$0x1F400] =	vst v63  }
0x1f: {  	_ = 	snop  }
0x20: {  	[tilespmem:s16], [sflag:$0x2] =	stream.indirect.gather [hbm4b:s4+s12], $0x40, s12, s12, $0xb8;
	[tilespmem:$0x1F400] =	vst v63  }
0x21: {  	_ = 	snop  }
0x22: {  	[tilespmem:s18], [sflag:$0x4] =	stream.linear.gather [hbm4b:s17+s3], $0x200, $0x38;
	[tilespmem:$0x1F400] =	vst v63  }
0x23: {  	_ =	swait.ge [sflag:s20], $0x8000  }
0x24: {  	[sflag:s20] =	ssyncset.done $0x0  }
0x25: {  	[sflag:s20] =	ssyncadd.s32 $0xFFFF8000  }
0x26: {  	_ =	swait.ge [sflag:s21], $0x200  }
0x27: {  	[sflag:s21] =	ssyncset.done $0x0  }
0x28: {  	[sflag:s21] =	ssyncadd.s32 $0xFFFFFE00  }
0x29: {  	[spmem:s1] =	stream.indirect.scatter.add.f32 [tilespmem:s13], [sflag:$0x5], $0x40, s15, s12, $0xb8;
	[tilespmem:$0x1F400] =	vst v63  }
0x2a: {  	_ =	swait.ge [sflag:s11], $0x8000  }
0x2b: {  	[sflag:s11] =	ssyncset.done $0x0  }
0x2c: {  	s25 =	simm.s32 $0x400;
	s26 =	sadd.s32 $0xFFFFF680, s19;
	[sflag:s11] =	ssyncadd.s32 $0xFFFF8000  }
0x2d: {  	[tilespmem:s13], [sflag:$0x1] =	stream.indirect.gather [hbm4b:s4+s12], $0x40, s25, s12, $0xb8;
	[tilespmem:$0x1F400] =	vst v63  }
0x2e: {  	s30 =	sadd.s32 $0xA00, s26  }
0x2f: {  	[tilespmem:s15], [sflag:$0x3] =	stream.linear.gather [hbm4b:s30+s3], $0x200, $0x38;
	[tilespmem:$0x1F400] =	vst v63  }
0x30: {  	_ =	swait.ge [sflag:s22], $0x8000  }
0x31: {  	[sflag:s22] =	ssyncset.done $0x0  }
0x32: {  	[sflag:s22] =	ssyncadd.s32 $0xFFFF8000  }
0x33: {  	_ =	swait.ge [sflag:s23], $0x200  }
0x34: {  	[sflag:s23] =	ssyncset.done $0x0  }
0x35: {  	[sflag:s23] =	ssyncadd.s32 $0xFFFFFE00  }
0x36: {  	[spmem:s1] =	stream.indirect.scatter.add.f32 [tilespmem:s16], [sflag:$0x5], $0x40, s18, s12, $0xb8;
	[tilespmem:$0x1F400] =	vst v63  }
0x37: {  	_ =	swait.ge [sflag:s11], $0x8000  }
0x38: {  	s31 =	simm.s32 $0x600;
	s28 =	sadd.s32 $0xA40, s26;
	[sflag:s11] =	ssyncset.done $0x0  }
0x39: {  	s26 =	simm.s32 $0x800;
	s25 =	simm.s32 $0xFFFFF700;
	[sflag:s11] =	ssyncadd.s32 $0xFFFF8000  }
0x3a: {  	[tilespmem:s16], [sflag:$0x2] =	stream.indirect.gather [hbm4b:s4+s12], $0x40, s31, s12, $0xb8;
	[tilespmem:$0x1F400] =	vst v63  }
.LBB2_2:
0x3b: {  	[tilespmem:s18], [sflag:$0x4] =	stream.linear.gather [hbm4b:s28+s3], $0x200, $0x38;
	[tilespmem:$0x1F400] =	vst v63  }
0x3c: {  	s28 =	smov.u32 s25  }
0x3d: {  	p0 =	sne.s32 s25, $0xFFFFFF80;
	s25 =	sadd.s32 $0x80, s25;
	_ =	swait.ge [sflag:s20], $0x8000  }
0x3e: {  	[sflag:s20] =	ssyncset.done $0x0  }
0x3f: {  	[sflag:s20] =	ssyncadd.s32 $0xFFFF8000  }
0x40: {  	_ =	swait.ge [sflag:s21], $0x200  }
0x41: {  	[sflag:s21] =	ssyncset.done $0x0  }
0x42: {  	[sflag:s21] =	ssyncadd.s32 $0xFFFFFE00  }
0x43: {  	[spmem:s1] =	stream.indirect.scatter.add.f32 [tilespmem:s13], [sflag:$0x5], $0x40, s15, s12, $0xb8;
	[tilespmem:$0x1F400] =	vst v63  }
0x44: {  	_ =	swait.ge [sflag:s11], $0x8000  }
0x45: {  	[sflag:s11] =	ssyncset.done $0x0  }
0x46: {  	s28 =	sadd.s32 s28, s19;
	[sflag:s11] =	ssyncadd.s32 $0xFFFF8000  }
0x47: {  	[tilespmem:s13], [sflag:$0x1] =	stream.indirect.gather [hbm4b:s4+s12], $0x40, s26, s12, $0xb8;
	[tilespmem:$0x1F400] =	vst v63  }
0x48: {  	s29 =	sadd.s32 $0xA00, s28  }
0x49: {  	[tilespmem:s15], [sflag:$0x3] =	stream.linear.gather [hbm4b:s29+s3], $0x200, $0x38;
	[tilespmem:$0x1F400] =	vst v63  }
0x4a: {  	_ =	swait.ge [sflag:s22], $0x8000  }
0x4b: {  	[sflag:s22] =	ssyncset.done $0x0  }
0x4c: {  	[sflag:s22] =	ssyncadd.s32 $0xFFFF8000  }
0x4d: {  	_ =	swait.ge [sflag:s23], $0x200  }
0x4e: {  	[sflag:s23] =	ssyncset.done $0x0  }
0x4f: {  	[sflag:s23] =	ssyncadd.s32 $0xFFFFFE00  }
0x50: {  	[spmem:s1] =	stream.indirect.scatter.add.f32 [tilespmem:s16], [sflag:$0x5], $0x40, s18, s12, $0xb8;
	[tilespmem:$0x1F400] =	vst v63  }
.Ltmp0:
0x51: {  	_ =	swait.ge [sflag:s11], $0x8000;
	(pc) =	sbr.rel @p0 .LBB2_2-.Ltmp0, $4  }
0x52: {  	[sflag:s11] =	ssyncset.done $0x0  }
0x53: {  	s29 =	sadd.s32 $0x200, s26;
	[sflag:s11] =	ssyncadd.s32 $0xFFFF8000  }
0x54: {  	[tilespmem:s16], [sflag:$0x2] =	stream.indirect.gather [hbm4b:s4+s12], $0x40, s29, s12, $0xb8;
	[tilespmem:$0x1F400] =	vst v63  }
0x55: {  	s28 =	sadd.s32 $0xA40, s28;
	s26 =	sadd.s32 $0x400, s26  }
0x56: {  	[tilespmem:s18], [sflag:$0x4] =	stream.linear.gather [hbm4b:s28+s3], $0x200, $0x38;
	[tilespmem:$0x1F400] =	vst v63  }
0x57: {  	_ =	swait.ge [sflag:s20], $0x8000  }
0x58: {  	[sflag:s20] =	ssyncset.done $0x0  }
0x59: {  	[sflag:s20] =	ssyncadd.s32 $0xFFFF8000  }
0x5a: {  	_ =	swait.ge [sflag:s21], $0x200  }
0x5b: {  	[sflag:s21] =	ssyncset.done $0x0  }
0x5c: {  	[sflag:s21] =	ssyncadd.s32 $0xFFFFFE00  }
0x5d: {  	[spmem:s1] =	stream.indirect.scatter.add.f32 [tilespmem:s13], [sflag:$0x5], $0x40, s15, s12, $0xb8;
	[tilespmem:$0x1F400] =	vst v63  }
0x5e: {  	_ =	swait.ge [sflag:s11], $0x8000  }
0x5f: {  	[sflag:s11] =	ssyncset.done $0x0  }
0x60: {  	[sflag:s11] =	ssyncadd.s32 $0xFFFF8000  }
0x61: {  	_ =	swait.ge [sflag:s22], $0x8000  }
0x62: {  	[sflag:s22] =	ssyncset.done $0x0  }
0x63: {  	[sflag:s22] =	ssyncadd.s32 $0xFFFF8000  }
0x64: {  	_ =	swait.ge [sflag:s23], $0x200  }
0x65: {  	[sflag:s23] =	ssyncset.done $0x0  }
0x66: {  	[sflag:s23] =	ssyncadd.s32 $0xFFFFFE00  }
0x67: {  	[spmem:s1] =	stream.indirect.scatter.add.f32 [tilespmem:s16], [sflag:$0x5], $0x40, s18, s12, $0xb8;
	[tilespmem:$0x1F400] =	vst v63  }
0x68: {  	_ =	swait.ge [sflag:s11], $0x8000  }
0x69: {  	s24 =	sadd.s32 $0x1, s24;
	[sflag:s11] =	ssyncset.done $0x0  }
0x6a: {  	p0 =	sne.s32 s24, s9;
	[sflag:s11] =	ssyncadd.s32 $0xFFFF8000  }
.Ltmp1:
0x6b: {  	[bflag:$0x0] =	sbarrier.arrive $0xFFFF;
	(pc) =	sbr.rel @p0 .LBB2_1-.Ltmp1, $4  }
0x6c: {  	[hbm:s8], [sflag:s6] =	dma.local [spmem:s10], $0x1400  }
0x6d: {  	_ =	swait.ge [sflag:s11], $0x1400  }
0x6e: {  	[sflag:s11] =	ssyncset.done $0x0  }
0x6f: {  	[sflag:s11] =	ssyncadd.s32 $0xFFFFEC00  }
0x70: {  	_ =	sfence.sel $0x180000  }
0x71: {  	[bflag:$0x0] =	sbarrier.arrive $0xFFFF  }
0x72: {  	p0 =	sne.s32 s2, $0x0;
	_ =	strace $0x9000004D  }
0x73: {  	s0 =	sadd.s32 @!p0 $0x100000, s0;
	[bflag:$0x2] =	sbarrier.arrive $0xFFFF  }
0x74: {  	[sflag:s0] =	ssyncadd.tile.s32 @!p0 $0x1;
	_ =	shalt  }
.Lfunc_end2:
_tile_overlayer_lowered:
.L_overlay_start_2:
0x75: {  	(tag) =	ssettag $0x2  }
0x76: {  	s0 =	rddreg [dreg:$0x0];
	s2 =	stileid.u32  }
0x77: {  	s1 =	rddreg [dreg:$0x1];
	p0 =	sne.s32 s2, $0x0  }
0x78: {  	s3 =	rddreg [dreg:$0x2];
	[bflag:$0x3] =	sbarrier.arrive $0xFFFF;
	s2 =	simm.s32 @!p0 $0x1C05  }
0x79: {  	[timem:s3], [sflag:s2] =	dma.local @!p0 [hbm:s0], s1  }
0x7a: {  	s0 =	simm.s32 @!p0 $0x5  }
0x7b: {  	_ =	swait.ge @!p0 [sflag:s0], s1  }
0x7c: {  	s1 =	ssub.s32 @!p0 $0x0, s1;
	[sflag:s0] =	ssyncset.done @!p0 $0x0  }
0x7d: {  	[sflag:s0] =	ssyncadd.s32 @!p0 s1  }
0x7e: {  	[bflag:$0x3] =	sbarrier.arrive $0xFFFF  }
0x7f: {  	_ =	shalt  }

// kernel: kernel.8.cloned.1.call-start
scs
__scs_entry_jumppad:
0x0: {  	(pc) =	sbr.rel $0x88, $3  }
0x1: {  	(tag) =	ssettag $0x0;
	lr =	simm.s32 $0x1  }
0x2: {  	[smem:$0x3F99] =	sst lr;
	_ =	strace $0xD0000000  }
0x3: {  	_ = 	snop  }
0x4: {  	_ = 	snop  }
0x5: {  	_ = 	snop  }
0x6: {  	_ = 	snop  }
0x7: {  	_ = 	snop  }
__scs_overlays_trampoline_lowered:
0x8: {  	[smem:$0x3FA8] =	sst s0  }
0x9: {  	[smem:$0x3FA9] =	sst s1  }
0xa: {  	[smem:$0x3FAA] =	sst s2  }
0xb: {  	[smem:$0x3FAB] =	sst s3  }
0xc: {  	[smem:$0x3FAC] =	sst s4  }
0xd: {  	[smem:$0x3FAD] =	sst s5  }
0xe: {  	[smem:$0x3FAE] =	sst s6  }
0xf: {  	[smem:$0x3FAF] =	sst s7  }
0x10: {  	[smem:$0x3FB0] =	sst s8  }
0x11: {  	[smem:$0x3FB1] =	sst s9;
	s0 =	simm.s32 @!p0 $0x0  }
0x12: {  	s1 =	sld [smem:$0x3F97];
	s0 =	simm.s32 @p0 $0x1  }
0x13: {  	[smem:$0x3FB2] =	sst s0;
	s0 =	simm.s32 @!p1 $0x0  }
0x14: {  	s2 =	sld [smem:$0x3F96];
	s0 =	simm.s32 @p1 $0x1  }
0x15: {  	[smem:$0x3FB3] =	sst s0;
	s0 =	simm.s32 @!p2 $0x0  }
0x16: {  	s3 =	sld [smem:$0x3FDB];
	s0 =	simm.s32 @p2 $0x1  }
0x17: {  	s4 =	simm.s32 $0x1BF5;
	[smem:$0x3FB5] =	sst s0  }
0x18: {  	s0 =	sld [smem:$0x3F98];
	_ =	swait.ge [sflag:s4], $0x0  }
0x19: {  	s7 =	sld [smem:$0x3F99]  }
0x1a: {  	s8 =	sadd.s32 $0xFFFFE003, lr  }
0x1b: {  	s9 =	sadd.s32 $0xFFFFFEF7, lr;
	s5 =	simm.s32 $0xFFFFFFFF;
	p2 =	slt.u32 s8, $0xFFFFF086  }
0x1c: {  	p1 =	slt.u32 s9, $0xF7A;
	s5 =	simm.s32 @!p2 $0x0  }
0x1d: {  	s5 =	simm.s32 @p1 $0x1;
	p0 =	seq.s32 s7, s2  }
0x1e: {  	s7 =	smul.u32 @!p0 $0xF7A, s2;
	p2 =	seq.s32 @!p0 s5, $0x0  }
0x1f: {  	s9 =	smul.u32 $0xF7A, s1;
	s8 =	simm.s32 @!p0 $0x1BF5;
	p2 =	por !p2, p0  }
0x20: {  	[sflag:s8] =	ssyncset.s32 @!p0 $0xFFFFF086;
	s6 =	sadd.s32 @!p0 s3, s7;
	s7 =	simm.s32 @!p0 $0x108  }
0x21: {  	s3 =	sadd.s32 s3, s9;
	s6 =	sadd.s32 @!p0 $0x88, s6;
	s7 =	simm.s32 @p2 $0x1082  }
0x22: {  	[simem:s7], [sflag:s8] =	dma.local @!p0 [hbm:s6], $0xF7A  }
0x23: {  	s9 =	sor.u32 $0xD0000000, s2;
	s6 =	simm.s32 $0x108;
	_ =	swait.ge @!p0 [sflag:s8], $0x0  }
0x24: {  	s3 =	sadd.s32 $0x88, s3;
	s6 =	simm.s32 @!p1 $0x1082;
	[sflag:s4] =	ssyncset.s32 $0xFFFFF086  }
0x25: {  	[simem:s6], [sflag:s4] =	dma.local [hbm:s3], $0xF7A  }
0x26: {  	[smem:$0x3F99] =	sst s1;
	(tag) =	ssettag s2;
	_ =	strace s9  }
0x27: {  	s1 =	sld [smem:$0x3FA9]  }
0x28: {  	s2 =	sld [smem:$0x3FAA]  }
0x29: {  	s4 =	sld [smem:$0x3FAC]  }
0x2a: {  	p0 =	seq.s32 s5, $0x0;
	s5 =	sld [smem:$0x3FAD]  }
0x2b: {  	s6 =	sld [smem:$0x3FAE]  }
0x2c: {  	s7 =	sld [smem:$0x3FAF]  }
0x2d: {  	s3 =	simm.s32 $0x108;
	s8 =	sld [smem:$0x3FB0]  }
0x2e: {  	s3 =	simm.s32 @!p0 $0x1082;
	s9 =	sld [smem:$0x3FB1]  }
0x2f: {  	lr =	sadd.s32 s0, s3;
	s0 =	sld [smem:$0x3FA8]  }
0x30: {  	s3 =	sld [smem:$0x3FAB]  }
0x31: {  	[smem:$0x3FB4] =	sst s10  }
0x32: {  	s10 =	sld [smem:$0x3FB2];
	_ =	sdelay $0x3  }
0x33: {  	p0 =	seq.s32 s10, $0x1;
	s10 =	sld [smem:$0x3FB4];
	_ =	sdelay $0x3  }
0x34: {  	[smem:$0x3FB4] =	sst s10  }
0x35: {  	s10 =	sld [smem:$0x3FB3];
	_ =	sdelay $0x3  }
0x36: {  	p1 =	seq.s32 s10, $0x1;
	s10 =	sld [smem:$0x3FB4];
	_ =	sdelay $0x3  }
0x37: {  	[smem:$0x3FB4] =	sst s10  }
0x38: {  	s10 =	sld [smem:$0x3FB5]  }
0x39: {  	_ = 	snop;
	(pc) =	sbr.ind lr, $3  }
0x3a: {  	_ = 	snop  }
0x3b: {  	_ = 	snop  }
0x3c: {  	p2 =	seq.s32 s10, $0x1;
	s10 =	sld [smem:$0x3FB4]  }
0x3d: {  	_ =	shalt  }
0x3e: {  	_ =	shalt  }
0x3f: {  	_ =	shalt  }
0x40: {  	_ =	shalt  }
0x41: {  	_ =	shalt  }
0x42: {  	_ =	shalt  }
0x43: {  	_ =	shalt  }
0x44: {  	_ =	shalt  }
0x45: {  	_ =	shalt  }
0x46: {  	_ =	shalt  }
0x47: {  	_ =	shalt  }
0x48: {  	_ =	shalt  }
0x49: {  	_ =	shalt  }
0x4a: {  	_ =	shalt  }
0x4b: {  	_ =	shalt  }
0x4c: {  	_ =	shalt  }
0x4d: {  	_ =	shalt  }
0x4e: {  	_ =	shalt  }
0x4f: {  	_ =	shalt  }
0x50: {  	_ =	shalt  }
0x51: {  	_ =	shalt  }
0x52: {  	_ =	shalt  }
0x53: {  	_ =	shalt  }
0x54: {  	_ =	shalt  }
0x55: {  	_ =	shalt  }
0x56: {  	_ =	shalt  }
0x57: {  	_ =	shalt  }
0x58: {  	_ =	shalt  }
0x59: {  	_ =	shalt  }
0x5a: {  	_ =	shalt  }
0x5b: {  	_ =	shalt  }
0x5c: {  	_ =	shalt  }
0x5d: {  	_ =	shalt  }
0x5e: {  	_ =	shalt  }
0x5f: {  	_ =	shalt  }
0x60: {  	_ =	shalt  }
0x61: {  	_ =	shalt  }
0x62: {  	_ =	shalt  }
0x63: {  	_ =	shalt  }
0x64: {  	_ =	shalt  }
0x65: {  	_ =	shalt  }
0x66: {  	_ =	shalt  }
0x67: {  	_ =	shalt  }
0x68: {  	_ =	shalt  }
0x69: {  	_ =	shalt  }
0x6a: {  	_ =	shalt  }
0x6b: {  	_ =	shalt  }
0x6c: {  	_ =	shalt  }
0x6d: {  	_ =	shalt  }
0x6e: {  	_ =	shalt  }
0x6f: {  	_ =	shalt  }
0x70: {  	_ =	shalt  }
0x71: {  	_ =	shalt  }
0x72: {  	_ =	shalt  }
0x73: {  	_ =	shalt  }
0x74: {  	_ =	shalt  }
0x75: {  	_ =	shalt  }
0x76: {  	_ =	shalt  }
0x77: {  	_ =	shalt  }
0x78: {  	_ =	shalt  }
0x79: {  	_ =	shalt  }
0x7a: {  	_ =	shalt  }
0x7b: {  	_ =	shalt  }
0x7c: {  	_ =	shalt  }
0x7d: {  	_ =	shalt  }
0x7e: {  	_ =	shalt  }
0x7f: {  	_ =	shalt  }
0x80: {  	_ =	shalt  }
0x81: {  	_ =	shalt  }
0x82: {  	_ =	shalt  }
0x83: {  	_ =	shalt  }
0x84: {  	_ =	shalt  }
0x85: {  	_ =	shalt  }
0x86: {  	_ =	shalt  }
0x87: {  	_ =	shalt  }
.Lfunc_end0:
.L_simem_size_0:
called_computation_lowered:
.L_overlay_start_0:
0x88: {  	s2 =	sld [smem:$0x3FD9]  }
0x89: {  	s3 =	sld [smem:$0x3FFE];
	_ =	sdelay $0x1  }
0x8a: {  	s1 =	srdreg.scid  }
0x8b: {  	s0 =	sand.u32 $0x1, s1  }
0x8c: {  	s17 =	sshll.u32 s0, $0xA;
	s2 =	sadd.s32 s3, s2  }
0x8d: {  	s2 =	sadd.s32 s2, s17  }
0x8e: {  	[smem:$0x3FC0] =	sst s2  }
0x8f: {  	_ = 	snop  }
0x90: {  	s2 =	sld [smem:$0x3FD0];
	(tm) =	ssettm $0x1  }
0x91: {  	s18 =	sld [smem:$0x3FFB];
	_ =	sdelay $0x3  }
0x92: {  	_ =	strace s18  }
0x93: {  	s3 =	sld [smem:$0x3FFC];
	_ =	sdelay $0x3  }
0x94: {  	_ =	strace s3  }
0x95: {  	s3 =	sld [smem:$0x3FFD];
	_ =	sdelay $0x3  }
0x96: {  	_ =	strace s3  }
0x97: {  	_ =	strace $0x8FFFFFFF  }
0x98: {  	s19 =	sld [smem:$0x3FDB];
	_ =	sdelay $0x1  }
0x99: {  	s4 =	simm.s32 $_scs_section_size  }
0x9a: {  	s5 =	simm.s32 $_size__tile_overlayer_lowered;
	s6 =	simm.s32 $_tile_overlayer_lowered  }
0x9b: {  	s22 =	simm.s32 $0x1BFF;
	s21 =	sshll.u32 s6, $0x1;
	s3 =	sadd.s32 s4, s19  }
0x9c: {  	s7 =	simm.s32 $0x0;
	s20 =	sshll.u32 s5, $0x1;
	s5 =	sadd.s32 s21, s3  }
0x9d: {  	[timem:s7], [sflag:s22] =	dma.local [hbm:s5], s20  }
0x9e: {  	_ =	swait.ge [sflag:s22], s20  }
0x9f: {  	s4 =	ssub.s32 $0x0, s20;
	[sflag:s22] =	ssyncset.done $0x0  }
0xa0: {  	[sflag:s22] =	ssyncadd.s32 s4;
	_ =	sdelay $0x1  }
0xa1: {  	s23 =	simm.s32 $0x1B8B  }
0xa2: {  	_ =	swait.ge [sflag:s23], $0x1  }
0xa3: {  	[sflag:s23] =	ssyncset.done $0x0  }
0xa4: {  	s25 =	simm.s32 $0x1B8E;
	s24 =	sld [smem:$0x3FFE];
	[sflag:s23] =	ssyncadd.s32 $0xFFFFFFFF  }
0xa5: {  	s26 =	simm.s32 $execute0_lowered;
	[smem:$0x3FD2] =	sst s25  }
0xa6: {  	s5 =	sshll.u32 s26, $0x1;
	_ =	strace $0x80000046;
	[dreg:$0x1] =	wrdreg $0xFFFFFFFF  }
0xa7: {  	s28 =	simm.s32 $_size_execute0_lowered;
	s3 =	sadd.s32 s3, s5;
	[dreg:$0x0] =	wrdreg $0x0  }
0xa8: {  	s5 =	sshll.u32 s28, $0x1;
	[dreg:$0x2] =	wrdreg s3  }
0xa9: {  	[dreg:$0x3] =	wrdreg s5  }
0xaa: {  	[dreg:$0x4] =	wrdreg $0xC0  }
0xab: {  	_ =	task [dreg:s7], $0x5FFFF  }
0xac: {  	[dreg:$0x1] =	wrdreg $0xFFFFFFFF  }
0xad: {  	[dreg:$0x0] =	wrdreg $0x60  }
0xae: {  	[dreg:$0x2] =	wrdreg s2  }
0xaf: {  	[dreg:$0x3] =	wrdreg s24  }
0xb0: {  	[dreg:$0x4] =	wrdreg $0x2A800  }
0xb1: {  	[dreg:$0x5] =	wrdreg $0x9  }
0xb2: {  	_ =	task.clear_ibuf [dreg:s7], $0x6FFFF;
	_ =	strace $0x90000046  }
0xb3: {  	s29 =	simm.s32 $0x9;
	_ =	strace $0x80000048  }
0xb4: {  	_ =	swait.ge [sflag:s29], $0x1  }
0xb5: {  	[sflag:s29] =	ssyncadd.s32 $0xFFFFFFFF  }
0xb6: {  	_ =	strace $0x90000048  }
0xb7: {  	_ =	sfence  }
0xb8: {  	s30 =	sld [smem:$0x0];
	_ =	sdelay $0x2  }
0xb9: {  	s31 =	sshll.u32 s1, $0xD;
	s1 =	sshrl.u32 s1, $0x2  }
0xba: {  	s3 =	sand.u32 $0x4000, s31;
	s1 =	sadd.s32 s1, s30  }
0xbb: {  	s0 =	sor.u32 s3, s0;
	s1 =	sshll.u32 s1, $0x11  }
0xbc: {  	s0 =	sor.u32 s1, s0  }
0xbd: {  	s0 =	sadd.s32 $0x8F2B, s0  }
0xbe: {  	[sflag:s0] =	ssyncadd.remote.s32 $0x1  }
0xbf: {  	_ =	sfence.sel $0xFFFF  }
0xc0: {  	[dreg:$0x0] =	wrdreg $0xFFFFFFFF;
	(pc) =	sbr.abs _section_cstart, $3  }
0xc1: {  	[dreg:$0x1] =	wrdreg $0xFFFFFFFF  }
0xc2: {  	_ =	task.clear_ibuf [dreg:s7], $0x2FFFF;
	_ =	strace $0x9FFFFFFF  }
0xc3: {  	(tm) =	ssettm $0x7FFFFFFF  }
tec
execute0_lowered:
.L_overlay_start_1:
0x0: {  	(tag) =	ssettag $0x1  }
0x1: {  	s5 =	rddreg [dreg:$0x0]  }
0x2: {  	s4 =	rddreg [dreg:$0x1]  }
0x3: {  	s1 =	srdreg.scid;
	s0 =	stileid.u32  }
0x4: {  	s2 =	rddreg [dreg:$0x2];
	s3 =	simm.s32 $0x0;
	s13 =	simm.s32 $0x20  }
0x5: {  	s14 =	simm.s32 $0x10;
	s15 =	simm.s32 $0x0;
	s7 =	smul.u32 $0x500, s0  }
0x6: {  	s6 =	sand.u32 $0x1, s1;
	s1 =	rddreg [dreg:$0x3];
	s9 =	smul.u32 $0xA00, s0  }
0x7: {  	[smem:$0x7FF] =	sst s3;
	s10 =	smul.u32 $0x2800, s0;
	s11 =	sshll.u32 s0, $0x6  }
0x8: {  	s8 =	sshll.u32 s6, $0x7;
	s28 =	smul.u32 $0x28000, s6;
	_ =	strace $0x80000047  }
0x9: {  	s29 =	ssub.s32 $0x2, s6;
	s11 =	sor.u32 $0x1C01, s11;
	s7 =	sor.u32 s8, s7  }
0xa: {  	s6 =	sshrl.u32 s29, $0x1;
	s9 =	sshrl.u32 s9, $0x2;
	s7 =	sshrl.u32 s7, $0x3  }
0xb: {  	s8 =	sadd.s32 s10, s28;
	s30 =	ssub.s32 s29, s6;
	s10 =	simm.s32 $0x80  }
0xc: {  	s7 =	sadd.s32 s7, s4;
	s4 =	sadd.s32 s9, s2;
	s31 =	sshrl.u32 s8, $0x3  }
0xd: {  	s8 =	simm.s32 $0x2800;
	s9 =	simm.s32 $0x1;
	s5 =	sadd.s32 s5, s31  }
0xe: {  	v0 =	vimm.f32 $1.000000000e+00;
	s6 =	sadd.s32 $0x1E00, s7;
	s7 =	smax.u32 s30, $0x1;
	s12 =	sshrl.u32 s4, $0x3  }
.LBB2_1:
0xf: {  	[tilespmem:$0x2800] =	vst v0  }
0x10: {  	[tilespmem:$0x2810] =	vst v0  }
0x11: {  	[tilespmem:$0x2820] =	vst v0  }
0x12: {  	[tilespmem:$0x2830] =	vst v0  }
0x13: {  	[tilespmem:$0x2840] =	vst v0  }
0x14: {  	[tilespmem:$0x2850] =	vst v0  }
0x15: {  	[tilespmem:$0x2860] =	vst v0  }
0x16: {  	[tilespmem:$0x2870] =	vst v0  }
0x17: {  	[tilespmem:$0x2880] =	vst v0  }
0x18: {  	[tilespmem:$0x2890] =	vst v0  }
0x19: {  	[tilespmem:$0x28A0] =	vst v0  }
0x1a: {  	[tilespmem:$0x28B0] =	vst v0  }
0x1b: {  	[tilespmem:$0x28C0] =	vst v0  }
0x1c: {  	[tilespmem:$0x28D0] =	vst v0  }
0x1d: {  	[tilespmem:$0x28E0] =	vst v0  }
0x1e: {  	[tilespmem:$0x28F0] =	vst v0  }
0x1f: {  	[tilespmem:$0x2900] =	vst v0  }
0x20: {  	[tilespmem:$0x2910] =	vst v0  }
0x21: {  	[tilespmem:$0x2920] =	vst v0  }
0x22: {  	[tilespmem:$0x2930] =	vst v0  }
0x23: {  	[tilespmem:$0x2940] =	vst v0  }
0x24: {  	[tilespmem:$0x2950] =	vst v0  }
0x25: {  	[tilespmem:$0x2960] =	vst v0  }
0x26: {  	[tilespmem:$0x2970] =	vst v0  }
0x27: {  	[tilespmem:$0x2980] =	vst v0  }
0x28: {  	[tilespmem:$0x2990] =	vst v0  }
0x29: {  	[tilespmem:$0x29A0] =	vst v0  }
0x2a: {  	[tilespmem:$0x29B0] =	vst v0  }
0x2b: {  	[tilespmem:$0x29C0] =	vst v0  }
0x2c: {  	[tilespmem:$0x29D0] =	vst v0  }
0x2d: {  	[tilespmem:$0x29E0] =	vst v0  }
0x2e: {  	[tilespmem:$0x29F0] =	vst v0  }
0x2f: {  	[tilespmem:$0x2A00] =	vst v0  }
0x30: {  	[tilespmem:$0x2A10] =	vst v0  }
0x31: {  	[tilespmem:$0x2A20] =	vst v0  }
0x32: {  	[tilespmem:$0x2A30] =	vst v0  }
0x33: {  	[tilespmem:$0x2A40] =	vst v0  }
0x34: {  	[tilespmem:$0x2A50] =	vst v0  }
0x35: {  	[tilespmem:$0x2A60] =	vst v0  }
0x36: {  	[tilespmem:$0x2A70] =	vst v0  }
0x37: {  	[spmem:s4] =	stream.linear.scatter [tilespmem:s8], [sflag:$0x1], $0x280, $0x38;
	[tilespmem:$0x2D00] =	vst v63  }
0x38: {  	_ =	swait.ge [sflag:s9], $0x280  }
0x39: {  	[sflag:s9] =	ssyncset.done $0x0  }
0x3a: {  	[sflag:s9] =	ssyncadd.s32 $0xFFFFFD80  }
0x3b: {  	[tilespmem:s3], [sflag:$0x1] =	stream.linear.gather [hbm4b:s5+s3], $0x2780, $0x38;
	[tilespmem:$0x2D00] =	vst v63  }
0x3c: {  	_ =	swait.ge [sflag:s9], $0x2780  }
0x3d: {  	[sflag:s9] =	ssyncset.done $0x0  }
0x3e: {  	[sflag:s9] =	ssyncadd.s32 $0xFFFFD880  }
0x3f: {  	s16 =	simm.s32 $0x0;
	[bflag:$0x0] =	sbarrier.arrive $0xFFFF  }
0x40: {  	[spmem:s2] =	stream.indirect.scatter.add.f32 [tilespmem:s8], [sflag:$0x1], $0x1, s16, s10, $0xb8;
	[tilespmem:$0x2D00] =	vst v63  }
0x41: {  	_ =	swait.ge [sflag:s9], $0x80  }
0x42: {  	s16 =	simm.s32 $0x200;
	[sflag:s9] =	ssyncset.done $0x0  }
.LBB2_2:
0x43: {  	s17 =	sshra.s32 s16, $0x2;
	[sflag:s9] =	ssyncadd.s32 $0xFFFFFF80;
	p0 =	sne.s32 s16, $0x9C00  }
0x44: {  	[spmem:s2] =	stream.indirect.scatter.add.f32 [tilespmem:s8], [sflag:$0x1], $0x1, s17, s10, $0xb8;
	[tilespmem:$0x2D00] =	vst v63  }
.Ltmp0:
0x45: {  	_ = 	snop;
	(pc) =	sbr.rel @p0 .LBB2_2-.Ltmp0, $4  }
0x46: {  	_ = 	snop  }
0x47: {  	s16 =	sadd.s32 $0x200, s16  }
0x48: {  	_ =	swait.ge [sflag:s9], $0x80  }
0x49: {  	[sflag:s9] =	ssyncset.done $0x0  }
0x4a: {  	s15 =	sadd.s32 $0x1, s15  }
0x4b: {  	[sflag:s9] =	ssyncadd.s32 $0xFFFFFF80;
	p0 =	sne.s32 s15, s7  }
.Ltmp1:
0x4c: {  	[bflag:$0x0] =	sbarrier.arrive $0xFFFF;
	(pc) =	sbr.rel @p0 .LBB2_1-.Ltmp1, $4  }
0x4d: {  	[hbm:s6@s13], [sflag:s11] =	dma.strided [spmem:s12@s14], $0x50, s9, $0x10   }
0x4e: {  	_ =	swait.ge [sflag:s9], $0x50  }
0x4f: {  	[sflag:s9] =	ssyncset.done $0x0  }
0x50: {  	[sflag:s9] =	ssyncadd.s32 $0xFFFFFFB0  }
0x51: {  	_ =	sfence.sel $0x180000  }
0x52: {  	[bflag:$0x0] =	sbarrier.arrive $0xFFFF  }
0x53: {  	p0 =	sne.s32 s0, $0x0;
	_ =	strace $0x90000047  }
0x54: {  	s0 =	sadd.s32 @!p0 $0x100000, s1;
	[bflag:$0x2] =	sbarrier.arrive $0xFFFF  }
0x55: {  	[sflag:s0] =	ssyncadd.tile.s32 @!p0 $0x1;
	_ =	shalt  }
.Lfunc_end2:
_tile_overlayer_lowered:
.L_overlay_start_2:
0x56: {  	(tag) =	ssettag $0x2  }
0x57: {  	s0 =	rddreg [dreg:$0x0];
	s2 =	stileid.u32  }
0x58: {  	s1 =	rddreg [dreg:$0x1];
	p0 =	sne.s32 s2, $0x0  }
0x59: {  	s3 =	rddreg [dreg:$0x2];
	[bflag:$0x3] =	sbarrier.arrive $0xFFFF;
	s2 =	simm.s32 @!p0 $0x1C01  }
0x5a: {  	[timem:s3], [sflag:s2] =	dma.local @!p0 [hbm:s0], s1  }
0x5b: {  	s0 =	simm.s32 @!p0 $0x1  }
0x5c: {  	_ =	swait.ge @!p0 [sflag:s0], s1  }
0x5d: {  	s1 =	ssub.s32 @!p0 $0x0, s1;
	[sflag:s0] =	ssyncset.done @!p0 $0x0  }
0x5e: {  	[sflag:s0] =	ssyncadd.s32 @!p0 s1  }
0x5f: {  	[bflag:$0x3] =	sbarrier.arrive $0xFFFF  }
0x60: {  	_ =	shalt  }

</sc_bundles>
